<compile_context>
chip_gen: v7x
topology: tpu7x:2x2x1
jax: 0.10.2.dev20260603
libtpu: 0.0.44.dev20260713+nightly
codegen_flags: <defaults>
</compile_context>

<pallas_src>
import functools

import jax
import jax.numpy as jnp
from jax import lax
from jax.experimental import pallas as pl
from jax.experimental.pallas import tpu as pltpu
from jax.experimental.pallas import tpu_sc as plsc

_N_STIM = 21
_NPAIR = _N_STIM * _N_STIM
_NPAD = 448
_B = 16384
_NC = 1
_NS = 16
_NW = _NC * _NS
_L = 16
_BPW = _B // _NW
_G = _BPW // _L
_TG = _NPAD // _L


def _sc_rank(idx_hbm, tbl_hbm, out_hbm, idx_v, tbl_v, stab_v, out_v,
             stab_sh, sem):
    wid = lax.axis_index("s") * _NC + lax.axis_index("c")
    idx_cp = pltpu.async_copy(
        idx_hbm.at[pl.ds(wid * (_BPW * 3), _BPW * 3)], idx_v, sem)
    pltpu.sync_copy(tbl_hbm, tbl_v)
    lanes = lax.iota(jnp.int32, _L)

    def mk_stab(g, carry):
        f = jnp.minimum(g * _L + lanes, _NPAIR - 1)
        q = lax.shift_right_logical(f * 3121, 16)
        r = f - q * _N_STIM
        q3 = q * 3
        r3 = r * 3
        d2 = jnp.zeros((_L,), jnp.float32)
        for k in range(3):
            diff = plsc.load_gather(tbl_v, [q3 + k]) - plsc.load_gather(
                tbl_v, [r3 + k])
            d2 = d2 + diff * diff
        d2s = jnp.maximum(d2, 1e-30)
        bits = plsc.bitcast(d2s, jnp.int32)
        y = plsc.bitcast(0x5F3759DF - lax.shift_right_logical(bits, 1),
                         jnp.float32)
        half = -0.5 * d2s
        for _ in range(2):
            y = y * (1.5 + half * y * y)
        d = d2 * y
        stab_v[pl.ds(g * _L, _L)] = jnp.exp(-10.0 * d) + 0.001
        return carry

    mk_stab(wid, 0)
    pltpu.sync_copy(stab_v.at[pl.ds(wid * _L, _L)],
                    stab_sh.at[pl.ds(wid * _L, _L)])

    @pl.when(wid < _TG - _NW)
    def _second_group():
        g2 = wid + _NW
        mk_stab(g2, 0)
        pltpu.sync_copy(stab_v.at[pl.ds(g2 * _L, _L)],
                        stab_sh.at[pl.ds(g2 * _L, _L)])

    plsc.subcore_barrier()
    pltpu.sync_copy(stab_sh, stab_v)
    idx_cp.wait()

    def body(g, carry):
        rows = g * _L + lanes
        r3 = rows * 3
        q = plsc.load_gather(idx_v, [r3])
        r1 = plsc.load_gather(idx_v, [r3 + 1])
        r2 = plsc.load_gather(idx_v, [r3 + 2])
        q21 = q * _N_STIM
        s1 = plsc.load_gather(stab_v, [q21 + r1])
        s2 = plsc.load_gather(stab_v, [q21 + r2])
        p0 = s1 / (s1 + s2)
        o2 = rows * 2
        plsc.store_scatter(out_v, [o2], p0)
        plsc.store_scatter(out_v, [o2 + 1], 1.0 - p0)
        return carry

    half_w = _BPW
    lax.fori_loop(0, _G // 2, body, 0, unroll=4)
    out_cp0 = pltpu.async_copy(
        out_v.at[pl.ds(0, half_w)],
        out_hbm.at[pl.ds(wid * (_BPW * 2), half_w)], sem)
    lax.fori_loop(_G // 2, _G, body, 0, unroll=4)
    out_cp1 = pltpu.async_copy(
        out_v.at[pl.ds(half_w, half_w)],
        out_hbm.at[pl.ds(wid * (_BPW * 2) + half_w, half_w)], sem)
    out_cp0.wait()
    out_cp1.wait()


@functools.cache
def _sc_rank_call():
    mesh = plsc.VectorSubcoreMesh(
        core_axis_name="c", subcore_axis_name="s", num_cores=_NC)
    return pl.kernel(
        _sc_rank,
        out_type=jax.ShapeDtypeStruct((_B * 2,), jnp.float32),
        mesh=mesh,
        compiler_params=pltpu.CompilerParams(needs_layout_passes=False),
        scratch_types=[
            pltpu.VMEM((_BPW * 3,), jnp.int32),
            pltpu.VMEM((_N_STIM * 3,), jnp.float32),
            pltpu.VMEM((_NPAD,), jnp.float32),
            pltpu.VMEM((_BPW * 2,), jnp.float32),
            pltpu.VMEM_SHARED((_NPAD,), jnp.float32),
            pltpu.SemaphoreType.DMA,
        ],
    )


def kernel(given2rank1_stimulus_set, percept_table):
    tbl = percept_table.astype(jnp.float32).reshape(_N_STIM * 3)
    idx = given2rank1_stimulus_set.astype(jnp.int32).reshape(_B * 3)
    return _sc_rank_call()(idx, tbl).reshape(_B, 2)

# --- scband reference (transcript-rebuilt; emitter-appended) ---
"""Pipeline reference for scband-rank-model-e-39273180954755 (READ-ONLY COPY).

The authoritative reference and input builder live on the scoring server;
editing this copy changes nothing except your own understanding.
"""

import jax, jax.numpy as jnp
import numpy as np

N_STIMULI = 20
N_DIM = 3
BATCH = 16384


def setup_inputs(seed: int = 0) -> dict:
    key = jax.random.key(seed)
    k1, k2 = jax.random.split(key)
    # indices in [1, 20] so that mask_zero semantics (index 0 = padding) never trigger
    idx = jax.random.randint(k1, (BATCH, 3), 1, N_STIMULI + 1)
    # learned percept embedding table, (n_stimuli + 1, n_dim)
    percept_table = jax.random.normal(k2, (N_STIMULI + 1, N_DIM), dtype=jnp.float32) * 0.1
    return {"given2rank1_stimulus_set": idx, "percept_table": percept_table}


def reference(given2rank1_stimulus_set, percept_table):
    # percept: embedding lookup
    z = jnp.take(percept_table, given2rank1_stimulus_set, axis=0)  # [B, 3, n_dim]
    # split along stimuli axis 1 into query (1) and references (2)
    z_q = z[:, 0:1, :]  # [B, 1, n_dim]
    z_r = z[:, 1:3, :]  # [B, 2, n_dim]
    # Minkowski distance, rho=2.0, w=1.0 (weighted Minkowski)
    rho = 2.0
    w = jnp.ones((N_DIM,), dtype=jnp.float32)
    d = jnp.power(jnp.sum(w * jnp.power(jnp.abs(z_q - z_r), rho), axis=-1), 1.0 / rho)  # [B, 2]
    # ExponentialSimilarity: s = exp(-beta * d**tau) + gamma; beta=10, tau=1, gamma=0.001
    beta, tau, gamma = 10.0, 1.0, 0.001
    s = jnp.exp(-beta * jnp.power(d, tau)) + gamma  # [B, 2]
    # SoftRank(n_select=1), temperature=1: Luce choice probability over the 2 references
    p = s / jnp.sum(s, axis=-1, keepdims=True)  # [B, 2]
    return p


if False:  # reference __main__ guard neutralized (emitter)
    out = reference(**setup_inputs())
    print(out.shape, out.dtype)

if __name__ == "__main__":
    import jax
    _d = setup_inputs()
    print(jax.jit(kernel)(*tuple(_d.values())))

</pallas_src>

<mosaic_0001>
#map = affine_map<(d0, d1) -> (0)>
module attributes {stable_mosaic.version = 14 : i64} {
  func.func @_sc_rank(%arg0: i32, %arg1: i32, %arg2: memref<49152xi32, #tpu.memory_space<hbm>>, %arg3: memref<63xf32, #tpu.memory_space<hbm>>, %arg4: memref<32768xf32, #tpu.memory_space<hbm>>, %arg5: memref<3072xi32, #tpu.memory_space<vmem>>, %arg6: memref<63xf32, #tpu.memory_space<vmem>>, %arg7: memref<448xf32, #tpu.memory_space<vmem>>, %arg8: memref<2048xf32, #tpu.memory_space<vmem>>, %arg9: memref<448xf32, #tpu.memory_space<vmem_shared>>, %arg10: memref<!tpu.dma_semaphore, #tpu.memory_space<semaphore_mem>>) attributes {dimension_semantics = [#tpu.dimension_semantics<core_parallel>, #tpu.dimension_semantics<subcore_parallel>], iteration_bounds = array<i64: 1, 16>, scalar_prefetch = 0 : i64, scratch_operands = 6 : i64, tpu.core_type = #tpu.core_type<sc_vector_subcore>, window_params = [{transform_indices = #map}, {transform_indices = #map}, {transform_indices = #map}]} {
    %mul3A = arith.constant 1 : i32
    %mul3A_0 = arith.muli %arg1, %mul3A : i32
    %add3A = arith.addi %mul3A_0, %arg0 : i32
    %mul3A_1 = arith.constant 3072 : i32
    %mul3A_2 = arith.muli %add3A, %mul3A_1 : i32
    %dma_start3A = tpu.memref_slice %arg2[%mul3A_2] : memref<49152xi32, #tpu.memory_space<hbm>> -> memref<3072xi32, #tpu.memory_space<hbm>>
    %dma_start3A_3 = tpu.memref_slice %arg2[%mul3A_2] : memref<49152xi32, #tpu.memory_space<hbm>> -> memref<3072xi32, #tpu.memory_space<hbm>>
    tpu.enqueue_dma source(%dma_start3A_3 : memref<3072xi32, #tpu.memory_space<hbm>>) target(%arg5 : memref<3072xi32, #tpu.memory_space<vmem>>) target_semaphore(%arg10 : memref<!tpu.dma_semaphore, #tpu.memory_space<semaphore_mem>>)
    "tpu.region"() ({
      %run_scoped3A = tpu.sem_alloc : memref<!tpu.dma_semaphore, #tpu.memory_space<semaphore_mem>>
      tpu.enqueue_dma source(%arg3 : memref<63xf32, #tpu.memory_space<hbm>>) target(%arg6 : memref<63xf32, #tpu.memory_space<vmem>>) target_semaphore(%run_scoped3A : memref<!tpu.dma_semaphore, #tpu.memory_space<semaphore_mem>>)
      tpu.wait_dma2 semaphore(%run_scoped3A : memref<!tpu.dma_semaphore, #tpu.memory_space<semaphore_mem>>) src(%arg3 : memref<63xf32, #tpu.memory_space<hbm>>) dst(%arg6 : memref<63xf32, #tpu.memory_space<vmem>>)
      tpu.yield
    }) : () -> ()
    %iota3A = tpu.iota {dimensions = array<i32: 0>} : vector<16xi32>
    %mul3A_4 = arith.constant 16 : i32
    %mul3A_5 = arith.muli %add3A, %mul3A_4 : i32
    %add3A_6 = vector.broadcast %mul3A_5 : i32 to vector<16xi32>
    %add3A_7 = arith.addi %add3A_6, %iota3A : vector<16xi32>
    %min3A = arith.constant 440 : i32
    %min3A_8 = vector.broadcast %min3A : i32 to vector<16xi32>
    %min3A_9 = arith.minsi %add3A_7, %min3A_8 : vector<16xi32>
    %mul3A_10 = arith.constant 3121 : i32
    %mul3A_11 = vector.broadcast %mul3A_10 : i32 to vector<16xi32>
    %mul3A_12 = arith.muli %min3A_9, %mul3A_11 : vector<16xi32>
    %shift_right_logical3A = arith.constant 16 : i32
    %shift_right_logical3A_13 = vector.broadcast %shift_right_logical3A : i32 to vector<16xi32>
    %shift_right_logical3A_14 = arith.shrui %mul3A_12, %shift_right_logical3A_13 : vector<16xi32>
    %mul3A_15 = arith.constant 21 : i32
    %mul3A_16 = vector.broadcast %mul3A_15 : i32 to vector<16xi32>
    %mul3A_17 = arith.muli %shift_right_logical3A_14, %mul3A_16 : vector<16xi32>
    %sub3A = arith.subi %min3A_9, %mul3A_17 : vector<16xi32>
    %mul3A_18 = arith.constant 3 : i32
    %mul3A_19 = vector.broadcast %mul3A_18 : i32 to vector<16xi32>
    %mul3A_20 = arith.muli %shift_right_logical3A_14, %mul3A_19 : vector<16xi32>
    %mul3A_21 = arith.constant 3 : i32
    %mul3A_22 = vector.broadcast %mul3A_21 : i32 to vector<16xi32>
    %mul3A_23 = arith.muli %sub3A, %mul3A_22 : vector<16xi32>
    %broadcast_in_dim3A = arith.constant 0.000000e+00 : f32
    %broadcast_in_dim3A_24 = vector.broadcast %broadcast_in_dim3A : f32 to vector<16xf32>
    %add3A_25 = arith.constant 0 : i32
    %add3A_26 = vector.broadcast %add3A_25 : i32 to vector<16xi32>
    %add3A_27 = arith.addi %mul3A_20, %add3A_26 : vector<16xi32>
    %gather3A = tpu.vector_load_idx %arg6[%add3A_27] : memref<63xf32, #tpu.memory_space<vmem>>[vector<16xi32>], vector<16xf32>,
    %add3A_28 = arith.constant 0 : i32
    %add3A_29 = vector.broadcast %add3A_28 : i32 to vector<16xi32>
    %add3A_30 = arith.addi %mul3A_23, %add3A_29 : vector<16xi32>
    %gather3A_31 = tpu.vector_load_idx %arg6[%add3A_30] : memref<63xf32, #tpu.memory_space<vmem>>[vector<16xi32>], vector<16xf32>,
    %sub3A_32 = arith.subf %gather3A, %gather3A_31 : vector<16xf32>
    %mul3A_33 = arith.mulf %sub3A_32, %sub3A_32 : vector<16xf32>
    %add3A_34 = arith.addf %broadcast_in_dim3A_24, %mul3A_33 : vector<16xf32>
    %add3A_35 = arith.constant 1 : i32
    %add3A_36 = vector.broadcast %add3A_35 : i32 to vector<16xi32>
    %add3A_37 = arith.addi %mul3A_20, %add3A_36 : vector<16xi32>
    %gather3A_38 = tpu.vector_load_idx %arg6[%add3A_37] : memref<63xf32, #tpu.memory_space<vmem>>[vector<16xi32>], vector<16xf32>,
    %add3A_39 = arith.constant 1 : i32
    %add3A_40 = vector.broadcast %add3A_39 : i32 to vector<16xi32>
    %add3A_41 = arith.addi %mul3A_23, %add3A_40 : vector<16xi32>
    %gather3A_42 = tpu.vector_load_idx %arg6[%add3A_41] : memref<63xf32, #tpu.memory_space<vmem>>[vector<16xi32>], vector<16xf32>,
    %sub3A_43 = arith.subf %gather3A_38, %gather3A_42 : vector<16xf32>
    %mul3A_44 = arith.mulf %sub3A_43, %sub3A_43 : vector<16xf32>
    %add3A_45 = arith.addf %add3A_34, %mul3A_44 : vector<16xf32>
    %add3A_46 = arith.constant 2 : i32
    %add3A_47 = vector.broadcast %add3A_46 : i32 to vector<16xi32>
    %add3A_48 = arith.addi %mul3A_20, %add3A_47 : vector<16xi32>
    %gather3A_49 = tpu.vector_load_idx %arg6[%add3A_48] : memref<63xf32, #tpu.memory_space<vmem>>[vector<16xi32>], vector<16xf32>,
    %add3A_50 = arith.constant 2 : i32
    %add3A_51 = vector.broadcast %add3A_50 : i32 to vector<16xi32>
    %add3A_52 = arith.addi %mul3A_23, %add3A_51 : vector<16xi32>
    %gather3A_53 = tpu.vector_load_idx %arg6[%add3A_52] : memref<63xf32, #tpu.memory_space<vmem>>[vector<16xi32>], vector<16xf32>,
    %sub3A_54 = arith.subf %gather3A_49, %gather3A_53 : vector<16xf32>
    %mul3A_55 = arith.mulf %sub3A_54, %sub3A_54 : vector<16xf32>
    %add3A_56 = arith.addf %add3A_45, %mul3A_55 : vector<16xf32>
    %max3A = arith.constant 1.000000e-30 : f32
    %max3A_57 = vector.broadcast %max3A : f32 to vector<16xf32>
    %max3A_58 = arith.maximumf %add3A_56, %max3A_57 : vector<16xf32>
    %bitcast3A = vector.bitcast %max3A_58 : vector<16xf32> to vector<16xi32>
    %shift_right_logical3A_59 = arith.constant 1 : i32
    %shift_right_logical3A_60 = vector.broadcast %shift_right_logical3A_59 : i32 to vector<16xi32>
    %shift_right_logical3A_61 = arith.shrui %bitcast3A, %shift_right_logical3A_60 : vector<16xi32>
    %sub3A_62 = arith.constant 1597463007 : i32
    %sub3A_63 = vector.broadcast %sub3A_62 : i32 to vector<16xi32>
    %sub3A_64 = arith.subi %sub3A_63, %shift_right_logical3A_61 : vector<16xi32>
    %bitcast3A_65 = vector.bitcast %sub3A_64 : vector<16xi32> to vector<16xf32>
    %mul3A_66 = arith.constant -5.000000e-01 : f32
    %mul3A_67 = vector.broadcast %mul3A_66 : f32 to vector<16xf32>
    %mul3A_68 = arith.mulf %mul3A_67, %max3A_58 : vector<16xf32>
    %mul3A_69 = arith.mulf %mul3A_68, %bitcast3A_65 : vector<16xf32>
    %mul3A_70 = arith.mulf %mul3A_69, %bitcast3A_65 : vector<16xf32>
    %add3A_71 = arith.constant 1.500000e+00 : f32
    %add3A_72 = vector.broadcast %add3A_71 : f32 to vector<16xf32>
    %add3A_73 = arith.addf %add3A_72, %mul3A_70 : vector<16xf32>
    %mul3A_74 = arith.mulf %bitcast3A_65, %add3A_73 : vector<16xf32>
    %mul3A_75 = arith.mulf %mul3A_68, %mul3A_74 : vector<16xf32>
    %mul3A_76 = arith.mulf %mul3A_75, %mul3A_74 : vector<16xf32>
    %add3A_77 = arith.constant 1.500000e+00 : f32
    %add3A_78 = vector.broadcast %add3A_77 : f32 to vector<16xf32>
    %add3A_79 = arith.addf %add3A_78, %mul3A_76 : vector<16xf32>
    %mul3A_80 = arith.mulf %mul3A_74, %add3A_79 : vector<16xf32>
    %mul3A_81 = arith.mulf %add3A_56, %mul3A_80 : vector<16xf32>
    %mul3A_82 = arith.constant -1.000000e+01 : f32
    %mul3A_83 = vector.broadcast %mul3A_82 : f32 to vector<16xf32>
    %mul3A_84 = arith.mulf %mul3A_83, %mul3A_81 : vector<16xf32>
    %exp3A = math.exp %mul3A_84 : vector<16xf32>
    %add3A_85 = arith.constant 1.000000e-03 : f32
    %add3A_86 = vector.broadcast %add3A_85 : f32 to vector<16xf32>
    %add3A_87 = arith.addf %exp3A, %add3A_86 : vector<16xf32>
    %mul3A_88 = arith.constant 16 : i32
    %mul3A_89 = arith.muli %add3A, %mul3A_88 : i32
    %swap3A = arith.index_cast %mul3A_89 : i32 to index
    %swap3A_90 = tpu.vector_load %arg7[%swap3A] {strides = array<i32>} : memref<448xf32, #tpu.memory_space<vmem>>, vector<16xf32>,
    tpu.vector_store %arg7[%swap3A], %add3A_87 {strides = array<i32>} : memref<448xf32, #tpu.memory_space<vmem>>, vector<16xf32>,
    %mul3A_91 = arith.constant 16 : i32
    %mul3A_92 = arith.muli %add3A, %mul3A_91 : i32
    %mul3A_93 = arith.constant 16 : i32
    %mul3A_94 = arith.muli %add3A, %mul3A_93 : i32
    "tpu.region"() ({
      %run_scoped3A = tpu.sem_alloc : memref<!tpu.dma_semaphore, #tpu.memory_space<semaphore_mem>>
      %dma_start3A_139 = tpu.memref_slice %arg7[%mul3A_92] : memref<448xf32, #tpu.memory_space<vmem>> -> memref<16xf32, #tpu.memory_space<vmem>>
      %dma_start3A_140 = tpu.memref_slice %arg9[%mul3A_94] : memref<448xf32, #tpu.memory_space<vmem_shared>> -> memref<16xf32, #tpu.memory_space<vmem_shared>>
      %dma_start3A_141 = tpu.memref_slice %arg9[%mul3A_94] : memref<448xf32, #tpu.memory_space<vmem_shared>> -> memref<16xf32, #tpu.memory_space<vmem_shared>>
      %dma_start3A_142 = tpu.memref_slice %arg7[%mul3A_92] : memref<448xf32, #tpu.memory_space<vmem>> -> memref<16xf32, #tpu.memory_space<vmem>>
      tpu.enqueue_dma source(%dma_start3A_142 : memref<16xf32, #tpu.memory_space<vmem>>) target(%dma_start3A_141 : memref<16xf32, #tpu.memory_space<vmem_shared>>) target_semaphore(%run_scoped3A : memref<!tpu.dma_semaphore, #tpu.memory_space<semaphore_mem>>)
      %dma_wait3A_143 = tpu.memref_slice %arg7[%mul3A_92] : memref<448xf32, #tpu.memory_space<vmem>> -> memref<16xf32, #tpu.memory_space<vmem>>
      %dma_wait3A_144 = tpu.memref_slice %arg9[%mul3A_94] : memref<448xf32, #tpu.memory_space<vmem_shared>> -> memref<16xf32, #tpu.memory_space<vmem_shared>>
      %dma_wait3A_145 = tpu.memref_slice %arg9[%mul3A_94] : memref<448xf32, #tpu.memory_space<vmem_shared>> -> memref<16xf32, #tpu.memory_space<vmem_shared>>
      %dma_wait3A_146 = tpu.memref_slice %arg7[%mul3A_92] : memref<448xf32, #tpu.memory_space<vmem>> -> memref<16xf32, #tpu.memory_space<vmem>>
      tpu.wait_dma2 semaphore(%run_scoped3A : memref<!tpu.dma_semaphore, #tpu.memory_space<semaphore_mem>>) src(%dma_wait3A_146 : memref<16xf32, #tpu.memory_space<vmem>>) dst(%dma_wait3A_145 : memref<16xf32, #tpu.memory_space<vmem_shared>>)
      tpu.yield
    }) : () -> ()
    %lt3A = arith.constant 12 : i32
    %lt3A_95 = arith.cmpi slt, %add3A, %lt3A : i32
    %convert_element_type3A = arith.extui %lt3A_95 : i1 to i32
    %cond3A = arith.constant 0 : i32
    %cond3A_96 = arith.cmpi ne, %convert_element_type3A, %cond3A : i32
    scf.if %cond3A_96 {
      %add3A_139 = arith.constant 16 : i32
      %add3A_140 = arith.addi %add3A, %add3A_139 : i32
      %mul3A_141 = arith.constant 16 : i32
      %mul3A_142 = arith.muli %add3A_140, %mul3A_141 : i32
      %add3A_143 = vector.broadcast %mul3A_142 : i32 to vector<16xi32>
      %add3A_144 = arith.addi %add3A_143, %iota3A : vector<16xi32>
      %min3A_145 = arith.constant 440 : i32
      %min3A_146 = vector.broadcast %min3A_145 : i32 to vector<16xi32>
      %min3A_147 = arith.minsi %add3A_144, %min3A_146 : vector<16xi32>
      %mul3A_148 = arith.constant 3121 : i32
      %mul3A_149 = vector.broadcast %mul3A_148 : i32 to vector<16xi32>
      %mul3A_150 = arith.muli %min3A_147, %mul3A_149 : vector<16xi32>
      %shift_right_logical3A_151 = arith.constant 16 : i32
      %shift_right_logical3A_152 = vector.broadcast %shift_right_logical3A_151 : i32 to vector<16xi32>
      %shift_right_logical3A_153 = arith.shrui %mul3A_150, %shift_right_logical3A_152 : vector<16xi32>
      %mul3A_154 = arith.constant 21 : i32
      %mul3A_155 = vector.broadcast %mul3A_154 : i32 to vector<16xi32>
      %mul3A_156 = arith.muli %shift_right_logical3A_153, %mul3A_155 : vector<16xi32>
      %sub3A_157 = arith.subi %min3A_147, %mul3A_156 : vector<16xi32>
      %mul3A_158 = arith.constant 3 : i32
      %mul3A_159 = vector.broadcast %mul3A_158 : i32 to vector<16xi32>
      %mul3A_160 = arith.muli %shift_right_logical3A_153, %mul3A_159 : vector<16xi32>
      %mul3A_161 = arith.constant 3 : i32
      %mul3A_162 = vector.broadcast %mul3A_161 : i32 to vector<16xi32>
      %mul3A_163 = arith.muli %sub3A_157, %mul3A_162 : vector<16xi32>
      %broadcast_in_dim3A_164 = arith.constant 0.000000e+00 : f32
      %broadcast_in_dim3A_165 = vector.broadcast %broadcast_in_dim3A_164 : f32 to vector<16xf32>
      %add3A_166 = arith.constant 0 : i32
      %add3A_167 = vector.broadcast %add3A_166 : i32 to vector<16xi32>
      %add3A_168 = arith.addi %mul3A_160, %add3A_167 : vector<16xi32>
      %gather3A_169 = tpu.vector_load_idx %arg6[%add3A_168] : memref<63xf32, #tpu.memory_space<vmem>>[vector<16xi32>], vector<16xf32>,
      %add3A_170 = arith.constant 0 : i32
      %add3A_171 = vector.broadcast %add3A_170 : i32 to vector<16xi32>
      %add3A_172 = arith.addi %mul3A_163, %add3A_171 : vector<16xi32>
      %gather3A_173 = tpu.vector_load_idx %arg6[%add3A_172] : memref<63xf32, #tpu.memory_space<vmem>>[vector<16xi32>], vector<16xf32>,
      %sub3A_174 = arith.subf %gather3A_169, %gather3A_173 : vector<16xf32>
      %mul3A_175 = arith.mulf %sub3A_174, %sub3A_174 : vector<16xf32>
      %add3A_176 = arith.addf %broadcast_in_dim3A_165, %mul3A_175 : vector<16xf32>
      %add3A_177 = arith.constant 1 : i32
      %add3A_178 = vector.broadcast %add3A_177 : i32 to vector<16xi32>
      %add3A_179 = arith.addi %mul3A_160, %add3A_178 : vector<16xi32>
      %gather3A_180 = tpu.vector_load_idx %arg6[%add3A_179] : memref<63xf32, #tpu.memory_space<vmem>>[vector<16xi32>], vector<16xf32>,
      %add3A_181 = arith.constant 1 : i32
      %add3A_182 = vector.broadcast %add3A_181 : i32 to vector<16xi32>
      %add3A_183 = arith.addi %mul3A_163, %add3A_182 : vector<16xi32>
      %gather3A_184 = tpu.vector_load_idx %arg6[%add3A_183] : memref<63xf32, #tpu.memory_space<vmem>>[vector<16xi32>], vector<16xf32>,
      %sub3A_185 = arith.subf %gather3A_180, %gather3A_184 : vector<16xf32>
      %mul3A_186 = arith.mulf %sub3A_185, %sub3A_185 : vector<16xf32>
      %add3A_187 = arith.addf %add3A_176, %mul3A_186 : vector<16xf32>
      %add3A_188 = arith.constant 2 : i32
      %add3A_189 = vector.broadcast %add3A_188 : i32 to vector<16xi32>
      %add3A_190 = arith.addi %mul3A_160, %add3A_189 : vector<16xi32>
      %gather3A_191 = tpu.vector_load_idx %arg6[%add3A_190] : memref<63xf32, #tpu.memory_space<vmem>>[vector<16xi32>], vector<16xf32>,
      %add3A_192 = arith.constant 2 : i32
      %add3A_193 = vector.broadcast %add3A_192 : i32 to vector<16xi32>
      %add3A_194 = arith.addi %mul3A_163, %add3A_193 : vector<16xi32>
      %gather3A_195 = tpu.vector_load_idx %arg6[%add3A_194] : memref<63xf32, #tpu.memory_space<vmem>>[vector<16xi32>], vector<16xf32>,
      %sub3A_196 = arith.subf %gather3A_191, %gather3A_195 : vector<16xf32>
      %mul3A_197 = arith.mulf %sub3A_196, %sub3A_196 : vector<16xf32>
      %add3A_198 = arith.addf %add3A_187, %mul3A_197 : vector<16xf32>
      %max3A_199 = arith.constant 1.000000e-30 : f32
      %max3A_200 = vector.broadcast %max3A_199 : f32 to vector<16xf32>
      %max3A_201 = arith.maximumf %add3A_198, %max3A_200 : vector<16xf32>
      %bitcast3A_202 = vector.bitcast %max3A_201 : vector<16xf32> to vector<16xi32>
      %shift_right_logical3A_203 = arith.constant 1 : i32
      %shift_right_logical3A_204 = vector.broadcast %shift_right_logical3A_203 : i32 to vector<16xi32>
      %shift_right_logical3A_205 = arith.shrui %bitcast3A_202, %shift_right_logical3A_204 : vector<16xi32>
      %sub3A_206 = arith.constant 1597463007 : i32
      %sub3A_207 = vector.broadcast %sub3A_206 : i32 to vector<16xi32>
      %sub3A_208 = arith.subi %sub3A_207, %shift_right_logical3A_205 : vector<16xi32>
      %bitcast3A_209 = vector.bitcast %sub3A_208 : vector<16xi32> to vector<16xf32>
      %mul3A_210 = arith.constant -5.000000e-01 : f32
      %mul3A_211 = vector.broadcast %mul3A_210 : f32 to vector<16xf32>
      %mul3A_212 = arith.mulf %mul3A_211, %max3A_201 : vector<16xf32>
      %mul3A_213 = arith.mulf %mul3A_212, %bitcast3A_209 : vector<16xf32>
      %mul3A_214 = arith.mulf %mul3A_213, %bitcast3A_209 : vector<16xf32>
      %add3A_215 = arith.constant 1.500000e+00 : f32
      %add3A_216 = vector.broadcast %add3A_215 : f32 to vector<16xf32>
      %add3A_217 = arith.addf %add3A_216, %mul3A_214 : vector<16xf32>
      %mul3A_218 = arith.mulf %bitcast3A_209, %add3A_217 : vector<16xf32>
      %mul3A_219 = arith.mulf %mul3A_212, %mul3A_218 : vector<16xf32>
      %mul3A_220 = arith.mulf %mul3A_219, %mul3A_218 : vector<16xf32>
      %add3A_221 = arith.constant 1.500000e+00 : f32
      %add3A_222 = vector.broadcast %add3A_221 : f32 to vector<16xf32>
      %add3A_223 = arith.addf %add3A_222, %mul3A_220 : vector<16xf32>
      %mul3A_224 = arith.mulf %mul3A_218, %add3A_223 : vector<16xf32>
      %mul3A_225 = arith.mulf %add3A_198, %mul3A_224 : vector<16xf32>
      %mul3A_226 = arith.constant -1.000000e+01 : f32
      %mul3A_227 = vector.broadcast %mul3A_226 : f32 to vector<16xf32>
      %mul3A_228 = arith.mulf %mul3A_227, %mul3A_225 : vector<16xf32>
      %exp3A_229 = math.exp %mul3A_228 : vector<16xf32>
      %add3A_230 = arith.constant 1.000000e-03 : f32
      %add3A_231 = vector.broadcast %add3A_230 : f32 to vector<16xf32>
      %add3A_232 = arith.addf %exp3A_229, %add3A_231 : vector<16xf32>
      %mul3A_233 = arith.constant 16 : i32
      %mul3A_234 = arith.muli %add3A_140, %mul3A_233 : i32
      %swap3A_235 = arith.index_cast %mul3A_234 : i32 to index
      %swap3A_236 = tpu.vector_load %arg7[%swap3A_235] {strides = array<i32>} : memref<448xf32, #tpu.memory_space<vmem>>, vector<16xf32>,
      tpu.vector_store %arg7[%swap3A_235], %add3A_232 {strides = array<i32>} : memref<448xf32, #tpu.memory_space<vmem>>, vector<16xf32>,
      %mul3A_237 = arith.constant 16 : i32
      %mul3A_238 = arith.muli %add3A_140, %mul3A_237 : i32
      %mul3A_239 = arith.constant 16 : i32
      %mul3A_240 = arith.muli %add3A_140, %mul3A_239 : i32
      "tpu.region"() ({
        %run_scoped3A = tpu.sem_alloc : memref<!tpu.dma_semaphore, #tpu.memory_space<semaphore_mem>>
        %dma_start3A_241 = tpu.memref_slice %arg7[%mul3A_238] : memref<448xf32, #tpu.memory_space<vmem>> -> memref<16xf32, #tpu.memory_space<vmem>>
        %dma_start3A_242 = tpu.memref_slice %arg9[%mul3A_240] : memref<448xf32, #tpu.memory_space<vmem_shared>> -> memref<16xf32, #tpu.memory_space<vmem_shared>>
        %dma_start3A_243 = tpu.memref_slice %arg9[%mul3A_240] : memref<448xf32, #tpu.memory_space<vmem_shared>> -> memref<16xf32, #tpu.memory_space<vmem_shared>>
        %dma_start3A_244 = tpu.memref_slice %arg7[%mul3A_238] : memref<448xf32, #tpu.memory_space<vmem>> -> memref<16xf32, #tpu.memory_space<vmem>>
        tpu.enqueue_dma source(%dma_start3A_244 : memref<16xf32, #tpu.memory_space<vmem>>) target(%dma_start3A_243 : memref<16xf32, #tpu.memory_space<vmem_shared>>) target_semaphore(%run_scoped3A : memref<!tpu.dma_semaphore, #tpu.memory_space<semaphore_mem>>)
        %dma_wait3A_245 = tpu.memref_slice %arg7[%mul3A_238] : memref<448xf32, #tpu.memory_space<vmem>> -> memref<16xf32, #tpu.memory_space<vmem>>
        %dma_wait3A_246 = tpu.memref_slice %arg9[%mul3A_240] : memref<448xf32, #tpu.memory_space<vmem_shared>> -> memref<16xf32, #tpu.memory_space<vmem_shared>>
        %dma_wait3A_247 = tpu.memref_slice %arg9[%mul3A_240] : memref<448xf32, #tpu.memory_space<vmem_shared>> -> memref<16xf32, #tpu.memory_space<vmem_shared>>
        %dma_wait3A_248 = tpu.memref_slice %arg7[%mul3A_238] : memref<448xf32, #tpu.memory_space<vmem>> -> memref<16xf32, #tpu.memory_space<vmem>>
        tpu.wait_dma2 semaphore(%run_scoped3A : memref<!tpu.dma_semaphore, #tpu.memory_space<semaphore_mem>>) src(%dma_wait3A_248 : memref<16xf32, #tpu.memory_space<vmem>>) dst(%dma_wait3A_247 : memref<16xf32, #tpu.memory_space<vmem_shared>>)
        tpu.yield
      }) : () -> ()
    } else {
    }
    %barrier3A = arith.constant 0 : index
    tpu.barrier barrier_id(%barrier3A)
    "tpu.region"() ({
      %run_scoped3A = tpu.sem_alloc : memref<!tpu.dma_semaphore, #tpu.memory_space<semaphore_mem>>
      tpu.enqueue_dma source(%arg9 : memref<448xf32, #tpu.memory_space<vmem_shared>>) target(%arg7 : memref<448xf32, #tpu.memory_space<vmem>>) target_semaphore(%run_scoped3A : memref<!tpu.dma_semaphore, #tpu.memory_space<semaphore_mem>>)
      tpu.wait_dma2 semaphore(%run_scoped3A : memref<!tpu.dma_semaphore, #tpu.memory_space<semaphore_mem>>) src(%arg9 : memref<448xf32, #tpu.memory_space<vmem_shared>>) dst(%arg7 : memref<448xf32, #tpu.memory_space<vmem>>)
      tpu.yield
    }) : () -> ()
    %dma_wait3A = tpu.memref_slice %arg2[%mul3A_2] : memref<49152xi32, #tpu.memory_space<hbm>> -> memref<3072xi32, #tpu.memory_space<hbm>>
    %dma_wait3A_97 = tpu.memref_slice %arg2[%mul3A_2] : memref<49152xi32, #tpu.memory_space<hbm>> -> memref<3072xi32, #tpu.memory_space<hbm>>
    tpu.wait_dma2 semaphore(%arg10 : memref<!tpu.dma_semaphore, #tpu.memory_space<semaphore_mem>>) src(%dma_wait3A_97 : memref<3072xi32, #tpu.memory_space<hbm>>) dst(%arg5 : memref<3072xi32, #tpu.memory_space<vmem>>)
    %scan3A = arith.constant 0 : i32
    %scan3A_98 = arith.constant 0 : i32
    %scan3A_99 = arith.constant 32 : i32
    %scan3A_100 = arith.addi %scan3A_98, %scan3A_99 : i32
    %scan3A_101 = arith.constant 4 : i32
    scf.for %scan3A_139 = %scan3A_98 to %scan3A_100 step %scan3A_101  : i32 {
      %mul3A_140 = arith.constant 16 : i32
      %mul3A_141 = arith.muli %scan3A_139, %mul3A_140 : i32
      %add3A_142 = vector.broadcast %mul3A_141 : i32 to vector<16xi32>
      %add3A_143 = arith.addi %add3A_142, %iota3A : vector<16xi32>
      %mul3A_144 = arith.constant 3 : i32
      %mul3A_145 = vector.broadcast %mul3A_144 : i32 to vector<16xi32>
      %mul3A_146 = arith.muli %add3A_143, %mul3A_145 : vector<16xi32>
      %gather3A_147 = tpu.vector_load_idx %arg5[%mul3A_146] : memref<3072xi32, #tpu.memory_space<vmem>>[vector<16xi32>], vector<16xi32>,
      %add3A_148 = arith.constant 1 : i32
      %add3A_149 = vector.broadcast %add3A_148 : i32 to vector<16xi32>
      %add3A_150 = arith.addi %mul3A_146, %add3A_149 : vector<16xi32>
      %gather3A_151 = tpu.vector_load_idx %arg5[%add3A_150] : memref<3072xi32, #tpu.memory_space<vmem>>[vector<16xi32>], vector<16xi32>,
      %add3A_152 = arith.constant 2 : i32
      %add3A_153 = vector.broadcast %add3A_152 : i32 to vector<16xi32>
      %add3A_154 = arith.addi %mul3A_146, %add3A_153 : vector<16xi32>
      %gather3A_155 = tpu.vector_load_idx %arg5[%add3A_154] : memref<3072xi32, #tpu.memory_space<vmem>>[vector<16xi32>], vector<16xi32>,
      %mul3A_156 = arith.constant 21 : i32
      %mul3A_157 = vector.broadcast %mul3A_156 : i32 to vector<16xi32>
      %mul3A_158 = arith.muli %gather3A_147, %mul3A_157 : vector<16xi32>
      %add3A_159 = arith.addi %mul3A_158, %gather3A_151 : vector<16xi32>
      %gather3A_160 = tpu.vector_load_idx %arg7[%add3A_159] : memref<448xf32, #tpu.memory_space<vmem>>[vector<16xi32>], vector<16xf32>,
      %add3A_161 = arith.addi %mul3A_158, %gather3A_155 : vector<16xi32>
      %gather3A_162 = tpu.vector_load_idx %arg7[%add3A_161] : memref<448xf32, #tpu.memory_space<vmem>>[vector<16xi32>], vector<16xf32>,
      %add3A_163 = arith.addf %gather3A_160, %gather3A_162 : vector<16xf32>
      %div3A = arith.divf %gather3A_160, %add3A_163 : vector<16xf32>
      %mul3A_164 = arith.constant 2 : i32
      %mul3A_165 = vector.broadcast %mul3A_164 : i32 to vector<16xi32>
      %mul3A_166 = arith.muli %add3A_143, %mul3A_165 : vector<16xi32>
      tpu.vector_store_idx %arg8[%mul3A_166], %div3A : memref<2048xf32, #tpu.memory_space<vmem>>[vector<16xi32>], vector<16xf32>,
      %add3A_167 = arith.constant 1 : i32
      %add3A_168 = vector.broadcast %add3A_167 : i32 to vector<16xi32>
      %add3A_169 = arith.addi %mul3A_166, %add3A_168 : vector<16xi32>
      %sub3A_170 = arith.constant 1.000000e+00 : f32
      %sub3A_171 = vector.broadcast %sub3A_170 : f32 to vector<16xf32>
      %sub3A_172 = arith.subf %sub3A_171, %div3A : vector<16xf32>
      tpu.vector_store_idx %arg8[%add3A_169], %sub3A_172 : memref<2048xf32, #tpu.memory_space<vmem>>[vector<16xi32>], vector<16xf32>,
      %scan3A_173 = arith.constant 1 : i32
      %scan3A_174 = arith.addi %scan3A_139, %scan3A_173 : i32
      %mul3A_175 = arith.constant 16 : i32
      %mul3A_176 = arith.muli %scan3A_174, %mul3A_175 : i32
      %add3A_177 = vector.broadcast %mul3A_176 : i32 to vector<16xi32>
      %add3A_178 = arith.addi %add3A_177, %iota3A : vector<16xi32>
      %mul3A_179 = arith.constant 3 : i32
      %mul3A_180 = vector.broadcast %mul3A_179 : i32 to vector<16xi32>
      %mul3A_181 = arith.muli %add3A_178, %mul3A_180 : vector<16xi32>
      %gather3A_182 = tpu.vector_load_idx %arg5[%mul3A_181] : memref<3072xi32, #tpu.memory_space<vmem>>[vector<16xi32>], vector<16xi32>,
      %add3A_183 = arith.constant 1 : i32
      %add3A_184 = vector.broadcast %add3A_183 : i32 to vector<16xi32>
      %add3A_185 = arith.addi %mul3A_181, %add3A_184 : vector<16xi32>
      %gather3A_186 = tpu.vector_load_idx %arg5[%add3A_185] : memref<3072xi32, #tpu.memory_space<vmem>>[vector<16xi32>], vector<16xi32>,
      %add3A_187 = arith.constant 2 : i32
      %add3A_188 = vector.broadcast %add3A_187 : i32 to vector<16xi32>
      %add3A_189 = arith.addi %mul3A_181, %add3A_188 : vector<16xi32>
      %gather3A_190 = tpu.vector_load_idx %arg5[%add3A_189] : memref<3072xi32, #tpu.memory_space<vmem>>[vector<16xi32>], vector<16xi32>,
      %mul3A_191 = arith.constant 21 : i32
      %mul3A_192 = vector.broadcast %mul3A_191 : i32 to vector<16xi32>
      %mul3A_193 = arith.muli %gather3A_182, %mul3A_192 : vector<16xi32>
      %add3A_194 = arith.addi %mul3A_193, %gather3A_186 : vector<16xi32>
      %gather3A_195 = tpu.vector_load_idx %arg7[%add3A_194] : memref<448xf32, #tpu.memory_space<vmem>>[vector<16xi32>], vector<16xf32>,
      %add3A_196 = arith.addi %mul3A_193, %gather3A_190 : vector<16xi32>
      %gather3A_197 = tpu.vector_load_idx %arg7[%add3A_196] : memref<448xf32, #tpu.memory_space<vmem>>[vector<16xi32>], vector<16xf32>,
      %add3A_198 = arith.addf %gather3A_195, %gather3A_197 : vector<16xf32>
      %div3A_199 = arith.divf %gather3A_195, %add3A_198 : vector<16xf32>
      %mul3A_200 = arith.constant 2 : i32
      %mul3A_201 = vector.broadcast %mul3A_200 : i32 to vector<16xi32>
      %mul3A_202 = arith.muli %add3A_178, %mul3A_201 : vector<16xi32>
      tpu.vector_store_idx %arg8[%mul3A_202], %div3A_199 : memref<2048xf32, #tpu.memory_space<vmem>>[vector<16xi32>], vector<16xf32>,
      %add3A_203 = arith.constant 1 : i32
      %add3A_204 = vector.broadcast %add3A_203 : i32 to vector<16xi32>
      %add3A_205 = arith.addi %mul3A_202, %add3A_204 : vector<16xi32>
      %sub3A_206 = arith.constant 1.000000e+00 : f32
      %sub3A_207 = vector.broadcast %sub3A_206 : f32 to vector<16xf32>
      %sub3A_208 = arith.subf %sub3A_207, %div3A_199 : vector<16xf32>
      tpu.vector_store_idx %arg8[%add3A_205], %sub3A_208 : memref<2048xf32, #tpu.memory_space<vmem>>[vector<16xi32>], vector<16xf32>,
      %scan3A_209 = arith.constant 2 : i32
      %scan3A_210 = arith.addi %scan3A_139, %scan3A_209 : i32
      %mul3A_211 = arith.constant 16 : i32
      %mul3A_212 = arith.muli %scan3A_210, %mul3A_211 : i32
      %add3A_213 = vector.broadcast %mul3A_212 : i32 to vector<16xi32>
      %add3A_214 = arith.addi %add3A_213, %iota3A : vector<16xi32>
      %mul3A_215 = arith.constant 3 : i32
      %mul3A_216 = vector.broadcast %mul3A_215 : i32 to vector<16xi32>
      %mul3A_217 = arith.muli %add3A_214, %mul3A_216 : vector<16xi32>
      %gather3A_218 = tpu.vector_load_idx %arg5[%mul3A_217] : memref<3072xi32, #tpu.memory_space<vmem>>[vector<16xi32>], vector<16xi32>,
      %add3A_219 = arith.constant 1 : i32
      %add3A_220 = vector.broadcast %add3A_219 : i32 to vector<16xi32>
      %add3A_221 = arith.addi %mul3A_217, %add3A_220 : vector<16xi32>
      %gather3A_222 = tpu.vector_load_idx %arg5[%add3A_221] : memref<3072xi32, #tpu.memory_space<vmem>>[vector<16xi32>], vector<16xi32>,
      %add3A_223 = arith.constant 2 : i32
      %add3A_224 = vector.broadcast %add3A_223 : i32 to vector<16xi32>
      %add3A_225 = arith.addi %mul3A_217, %add3A_224 : vector<16xi32>
      %gather3A_226 = tpu.vector_load_idx %arg5[%add3A_225] : memref<3072xi32, #tpu.memory_space<vmem>>[vector<16xi32>], vector<16xi32>,
      %mul3A_227 = arith.constant 21 : i32
      %mul3A_228 = vector.broadcast %mul3A_227 : i32 to vector<16xi32>
      %mul3A_229 = arith.muli %gather3A_218, %mul3A_228 : vector<16xi32>
      %add3A_230 = arith.addi %mul3A_229, %gather3A_222 : vector<16xi32>
      %gather3A_231 = tpu.vector_load_idx %arg7[%add3A_230] : memref<448xf32, #tpu.memory_space<vmem>>[vector<16xi32>], vector<16xf32>,
      %add3A_232 = arith.addi %mul3A_229, %gather3A_226 : vector<16xi32>
      %gather3A_233 = tpu.vector_load_idx %arg7[%add3A_232] : memref<448xf32, #tpu.memory_space<vmem>>[vector<16xi32>], vector<16xf32>,
      %add3A_234 = arith.addf %gather3A_231, %gather3A_233 : vector<16xf32>
      %div3A_235 = arith.divf %gather3A_231, %add3A_234 : vector<16xf32>
      %mul3A_236 = arith.constant 2 : i32
      %mul3A_237 = vector.broadcast %mul3A_236 : i32 to vector<16xi32>
      %mul3A_238 = arith.muli %add3A_214, %mul3A_237 : vector<16xi32>
      tpu.vector_store_idx %arg8[%mul3A_238], %div3A_235 : memref<2048xf32, #tpu.memory_space<vmem>>[vector<16xi32>], vector<16xf32>,
      %add3A_239 = arith.constant 1 : i32
      %add3A_240 = vector.broadcast %add3A_239 : i32 to vector<16xi32>
      %add3A_241 = arith.addi %mul3A_238, %add3A_240 : vector<16xi32>
      %sub3A_242 = arith.constant 1.000000e+00 : f32
      %sub3A_243 = vector.broadcast %sub3A_242 : f32 to vector<16xf32>
      %sub3A_244 = arith.subf %sub3A_243, %div3A_235 : vector<16xf32>
      tpu.vector_store_idx %arg8[%add3A_241], %sub3A_244 : memref<2048xf32, #tpu.memory_space<vmem>>[vector<16xi32>], vector<16xf32>,
      %scan3A_245 = arith.constant 3 : i32
      %scan3A_246 = arith.addi %scan3A_139, %scan3A_245 : i32
      %mul3A_247 = arith.constant 16 : i32
      %mul3A_248 = arith.muli %scan3A_246, %mul3A_247 : i32
      %add3A_249 = vector.broadcast %mul3A_248 : i32 to vector<16xi32>
      %add3A_250 = arith.addi %add3A_249, %iota3A : vector<16xi32>
      %mul3A_251 = arith.constant 3 : i32
      %mul3A_252 = vector.broadcast %mul3A_251 : i32 to vector<16xi32>
      %mul3A_253 = arith.muli %add3A_250, %mul3A_252 : vector<16xi32>
      %gather3A_254 = tpu.vector_load_idx %arg5[%mul3A_253] : memref<3072xi32, #tpu.memory_space<vmem>>[vector<16xi32>], vector<16xi32>,
      %add3A_255 = arith.constant 1 : i32
      %add3A_256 = vector.broadcast %add3A_255 : i32 to vector<16xi32>
      %add3A_257 = arith.addi %mul3A_253, %add3A_256 : vector<16xi32>
      %gather3A_258 = tpu.vector_load_idx %arg5[%add3A_257] : memref<3072xi32, #tpu.memory_space<vmem>>[vector<16xi32>], vector<16xi32>,
      %add3A_259 = arith.constant 2 : i32
      %add3A_260 = vector.broadcast %add3A_259 : i32 to vector<16xi32>
      %add3A_261 = arith.addi %mul3A_253, %add3A_260 : vector<16xi32>
      %gather3A_262 = tpu.vector_load_idx %arg5[%add3A_261] : memref<3072xi32, #tpu.memory_space<vmem>>[vector<16xi32>], vector<16xi32>,
      %mul3A_263 = arith.constant 21 : i32
      %mul3A_264 = vector.broadcast %mul3A_263 : i32 to vector<16xi32>
      %mul3A_265 = arith.muli %gather3A_254, %mul3A_264 : vector<16xi32>
      %add3A_266 = arith.addi %mul3A_265, %gather3A_258 : vector<16xi32>
      %gather3A_267 = tpu.vector_load_idx %arg7[%add3A_266] : memref<448xf32, #tpu.memory_space<vmem>>[vector<16xi32>], vector<16xf32>,
      %add3A_268 = arith.addi %mul3A_265, %gather3A_262 : vector<16xi32>
      %gather3A_269 = tpu.vector_load_idx %arg7[%add3A_268] : memref<448xf32, #tpu.memory_space<vmem>>[vector<16xi32>], vector<16xf32>,
      %add3A_270 = arith.addf %gather3A_267, %gather3A_269 : vector<16xf32>
      %div3A_271 = arith.divf %gather3A_267, %add3A_270 : vector<16xf32>
      %mul3A_272 = arith.constant 2 : i32
      %mul3A_273 = vector.broadcast %mul3A_272 : i32 to vector<16xi32>
      %mul3A_274 = arith.muli %add3A_250, %mul3A_273 : vector<16xi32>
      tpu.vector_store_idx %arg8[%mul3A_274], %div3A_271 : memref<2048xf32, #tpu.memory_space<vmem>>[vector<16xi32>], vector<16xf32>,
      %add3A_275 = arith.constant 1 : i32
      %add3A_276 = vector.broadcast %add3A_275 : i32 to vector<16xi32>
      %add3A_277 = arith.addi %mul3A_274, %add3A_276 : vector<16xi32>
      %sub3A_278 = arith.constant 1.000000e+00 : f32
      %sub3A_279 = vector.broadcast %sub3A_278 : f32 to vector<16xf32>
      %sub3A_280 = arith.subf %sub3A_279, %div3A_271 : vector<16xf32>
      tpu.vector_store_idx %arg8[%add3A_277], %sub3A_280 : memref<2048xf32, #tpu.memory_space<vmem>>[vector<16xi32>], vector<16xf32>,
    }
    %scan3A_102 = arith.constant 32 : i32
    %mul3A_103 = arith.constant 2048 : i32
    %mul3A_104 = arith.muli %add3A, %mul3A_103 : i32
    %dma_start3A_105 = arith.constant 0 : i32
    %dma_start3A_106 = tpu.memref_slice %arg8[%dma_start3A_105] : memref<2048xf32, #tpu.memory_space<vmem>> -> memref<1024xf32, #tpu.memory_space<vmem>>
    %dma_start3A_107 = tpu.memref_slice %arg4[%mul3A_104] : memref<32768xf32, #tpu.memory_space<hbm>> -> memref<1024xf32, #tpu.memory_space<hbm>>
    %dma_start3A_108 = tpu.memref_slice %arg4[%mul3A_104] : memref<32768xf32, #tpu.memory_space<hbm>> -> memref<1024xf32, #tpu.memory_space<hbm>>
    %dma_start3A_109 = arith.constant 0 : i32
    %dma_start3A_110 = tpu.memref_slice %arg8[%dma_start3A_109] : memref<2048xf32, #tpu.memory_space<vmem>> -> memref<1024xf32, #tpu.memory_space<vmem>>
    tpu.enqueue_dma source(%dma_start3A_110 : memref<1024xf32, #tpu.memory_space<vmem>>) target(%dma_start3A_108 : memref<1024xf32, #tpu.memory_space<hbm>>) target_semaphore(%arg10 : memref<!tpu.dma_semaphore, #tpu.memory_space<semaphore_mem>>)
    %scan3A_111 = arith.constant 0 : i32
    %scan3A_112 = arith.constant 32 : i32
    %scan3A_113 = arith.constant 32 : i32
    %scan3A_114 = arith.addi %scan3A_112, %scan3A_113 : i32
    %scan3A_115 = arith.constant 4 : i32
    scf.for %scan3A_139 = %scan3A_112 to %scan3A_114 step %scan3A_115  : i32 {
      %mul3A_140 = arith.constant 16 : i32
      %mul3A_141 = arith.muli %scan3A_139, %mul3A_140 : i32
      %add3A_142 = vector.broadcast %mul3A_141 : i32 to vector<16xi32>
      %add3A_143 = arith.addi %add3A_142, %iota3A : vector<16xi32>
      %mul3A_144 = arith.constant 3 : i32
      %mul3A_145 = vector.broadcast %mul3A_144 : i32 to vector<16xi32>
      %mul3A_146 = arith.muli %add3A_143, %mul3A_145 : vector<16xi32>
      %gather3A_147 = tpu.vector_load_idx %arg5[%mul3A_146] : memref<3072xi32, #tpu.memory_space<vmem>>[vector<16xi32>], vector<16xi32>,
      %add3A_148 = arith.constant 1 : i32
      %add3A_149 = vector.broadcast %add3A_148 : i32 to vector<16xi32>
      %add3A_150 = arith.addi %mul3A_146, %add3A_149 : vector<16xi32>
      %gather3A_151 = tpu.vector_load_idx %arg5[%add3A_150] : memref<3072xi32, #tpu.memory_space<vmem>>[vector<16xi32>], vector<16xi32>,
      %add3A_152 = arith.constant 2 : i32
      %add3A_153 = vector.broadcast %add3A_152 : i32 to vector<16xi32>
      %add3A_154 = arith.addi %mul3A_146, %add3A_153 : vector<16xi32>
      %gather3A_155 = tpu.vector_load_idx %arg5[%add3A_154] : memref<3072xi32, #tpu.memory_space<vmem>>[vector<16xi32>], vector<16xi32>,
      %mul3A_156 = arith.constant 21 : i32
      %mul3A_157 = vector.broadcast %mul3A_156 : i32 to vector<16xi32>
      %mul3A_158 = arith.muli %gather3A_147, %mul3A_157 : vector<16xi32>
      %add3A_159 = arith.addi %mul3A_158, %gather3A_151 : vector<16xi32>
      %gather3A_160 = tpu.vector_load_idx %arg7[%add3A_159] : memref<448xf32, #tpu.memory_space<vmem>>[vector<16xi32>], vector<16xf32>,
      %add3A_161 = arith.addi %mul3A_158, %gather3A_155 : vector<16xi32>
      %gather3A_162 = tpu.vector_load_idx %arg7[%add3A_161] : memref<448xf32, #tpu.memory_space<vmem>>[vector<16xi32>], vector<16xf32>,
      %add3A_163 = arith.addf %gather3A_160, %gather3A_162 : vector<16xf32>
      %div3A = arith.divf %gather3A_160, %add3A_163 : vector<16xf32>
      %mul3A_164 = arith.constant 2 : i32
      %mul3A_165 = vector.broadcast %mul3A_164 : i32 to vector<16xi32>
      %mul3A_166 = arith.muli %add3A_143, %mul3A_165 : vector<16xi32>
      tpu.vector_store_idx %arg8[%mul3A_166], %div3A : memref<2048xf32, #tpu.memory_space<vmem>>[vector<16xi32>], vector<16xf32>,
      %add3A_167 = arith.constant 1 : i32
      %add3A_168 = vector.broadcast %add3A_167 : i32 to vector<16xi32>
      %add3A_169 = arith.addi %mul3A_166, %add3A_168 : vector<16xi32>
      %sub3A_170 = arith.constant 1.000000e+00 : f32
      %sub3A_171 = vector.broadcast %sub3A_170 : f32 to vector<16xf32>
      %sub3A_172 = arith.subf %sub3A_171, %div3A : vector<16xf32>
      tpu.vector_store_idx %arg8[%add3A_169], %sub3A_172 : memref<2048xf32, #tpu.memory_space<vmem>>[vector<16xi32>], vector<16xf32>,
      %scan3A_173 = arith.constant 1 : i32
      %scan3A_174 = arith.addi %scan3A_139, %scan3A_173 : i32
      %mul3A_175 = arith.constant 16 : i32
      %mul3A_176 = arith.muli %scan3A_174, %mul3A_175 : i32
      %add3A_177 = vector.broadcast %mul3A_176 : i32 to vector<16xi32>
      %add3A_178 = arith.addi %add3A_177, %iota3A : vector<16xi32>
      %mul3A_179 = arith.constant 3 : i32
      %mul3A_180 = vector.broadcast %mul3A_179 : i32 to vector<16xi32>
      %mul3A_181 = arith.muli %add3A_178, %mul3A_180 : vector<16xi32>
      %gather3A_182 = tpu.vector_load_idx %arg5[%mul3A_181] : memref<3072xi32, #tpu.memory_space<vmem>>[vector<16xi32>], vector<16xi32>,
      %add3A_183 = arith.constant 1 : i32
      %add3A_184 = vector.broadcast %add3A_183 : i32 to vector<16xi32>
      %add3A_185 = arith.addi %mul3A_181, %add3A_184 : vector<16xi32>
      %gather3A_186 = tpu.vector_load_idx %arg5[%add3A_185] : memref<3072xi32, #tpu.memory_space<vmem>>[vector<16xi32>], vector<16xi32>,
      %add3A_187 = arith.constant 2 : i32
      %add3A_188 = vector.broadcast %add3A_187 : i32 to vector<16xi32>
      %add3A_189 = arith.addi %mul3A_181, %add3A_188 : vector<16xi32>
      %gather3A_190 = tpu.vector_load_idx %arg5[%add3A_189] : memref<3072xi32, #tpu.memory_space<vmem>>[vector<16xi32>], vector<16xi32>,
      %mul3A_191 = arith.constant 21 : i32
      %mul3A_192 = vector.broadcast %mul3A_191 : i32 to vector<16xi32>
      %mul3A_193 = arith.muli %gather3A_182, %mul3A_192 : vector<16xi32>
      %add3A_194 = arith.addi %mul3A_193, %gather3A_186 : vector<16xi32>
      %gather3A_195 = tpu.vector_load_idx %arg7[%add3A_194] : memref<448xf32, #tpu.memory_space<vmem>>[vector<16xi32>], vector<16xf32>,
      %add3A_196 = arith.addi %mul3A_193, %gather3A_190 : vector<16xi32>
      %gather3A_197 = tpu.vector_load_idx %arg7[%add3A_196] : memref<448xf32, #tpu.memory_space<vmem>>[vector<16xi32>], vector<16xf32>,
      %add3A_198 = arith.addf %gather3A_195, %gather3A_197 : vector<16xf32>
      %div3A_199 = arith.divf %gather3A_195, %add3A_198 : vector<16xf32>
      %mul3A_200 = arith.constant 2 : i32
      %mul3A_201 = vector.broadcast %mul3A_200 : i32 to vector<16xi32>
      %mul3A_202 = arith.muli %add3A_178, %mul3A_201 : vector<16xi32>
      tpu.vector_store_idx %arg8[%mul3A_202], %div3A_199 : memref<2048xf32, #tpu.memory_space<vmem>>[vector<16xi32>], vector<16xf32>,
      %add3A_203 = arith.constant 1 : i32
      %add3A_204 = vector.broadcast %add3A_203 : i32 to vector<16xi32>
      %add3A_205 = arith.addi %mul3A_202, %add3A_204 : vector<16xi32>
      %sub3A_206 = arith.constant 1.000000e+00 : f32
      %sub3A_207 = vector.broadcast %sub3A_206 : f32 to vector<16xf32>
      %sub3A_208 = arith.subf %sub3A_207, %div3A_199 : vector<16xf32>
      tpu.vector_store_idx %arg8[%add3A_205], %sub3A_208 : memref<2048xf32, #tpu.memory_space<vmem>>[vector<16xi32>], vector<16xf32>,
      %scan3A_209 = arith.constant 2 : i32
      %scan3A_210 = arith.addi %scan3A_139, %scan3A_209 : i32
      %mul3A_211 = arith.constant 16 : i32
      %mul3A_212 = arith.muli %scan3A_210, %mul3A_211 : i32
      %add3A_213 = vector.broadcast %mul3A_212 : i32 to vector<16xi32>
      %add3A_214 = arith.addi %add3A_213, %iota3A : vector<16xi32>
      %mul3A_215 = arith.constant 3 : i32
      %mul3A_216 = vector.broadcast %mul3A_215 : i32 to vector<16xi32>
      %mul3A_217 = arith.muli %add3A_214, %mul3A_216 : vector<16xi32>
      %gather3A_218 = tpu.vector_load_idx %arg5[%mul3A_217] : memref<3072xi32, #tpu.memory_space<vmem>>[vector<16xi32>], vector<16xi32>,
      %add3A_219 = arith.constant 1 : i32
      %add3A_220 = vector.broadcast %add3A_219 : i32 to vector<16xi32>
      %add3A_221 = arith.addi %mul3A_217, %add3A_220 : vector<16xi32>
      %gather3A_222 = tpu.vector_load_idx %arg5[%add3A_221] : memref<3072xi32, #tpu.memory_space<vmem>>[vector<16xi32>], vector<16xi32>,
      %add3A_223 = arith.constant 2 : i32
      %add3A_224 = vector.broadcast %add3A_223 : i32 to vector<16xi32>
      %add3A_225 = arith.addi %mul3A_217, %add3A_224 : vector<16xi32>
      %gather3A_226 = tpu.vector_load_idx %arg5[%add3A_225] : memref<3072xi32, #tpu.memory_space<vmem>>[vector<16xi32>], vector<16xi32>,
      %mul3A_227 = arith.constant 21 : i32
      %mul3A_228 = vector.broadcast %mul3A_227 : i32 to vector<16xi32>
      %mul3A_229 = arith.muli %gather3A_218, %mul3A_228 : vector<16xi32>
      %add3A_230 = arith.addi %mul3A_229, %gather3A_222 : vector<16xi32>
      %gather3A_231 = tpu.vector_load_idx %arg7[%add3A_230] : memref<448xf32, #tpu.memory_space<vmem>>[vector<16xi32>], vector<16xf32>,
      %add3A_232 = arith.addi %mul3A_229, %gather3A_226 : vector<16xi32>
      %gather3A_233 = tpu.vector_load_idx %arg7[%add3A_232] : memref<448xf32, #tpu.memory_space<vmem>>[vector<16xi32>], vector<16xf32>,
      %add3A_234 = arith.addf %gather3A_231, %gather3A_233 : vector<16xf32>
      %div3A_235 = arith.divf %gather3A_231, %add3A_234 : vector<16xf32>
      %mul3A_236 = arith.constant 2 : i32
      %mul3A_237 = vector.broadcast %mul3A_236 : i32 to vector<16xi32>
      %mul3A_238 = arith.muli %add3A_214, %mul3A_237 : vector<16xi32>
      tpu.vector_store_idx %arg8[%mul3A_238], %div3A_235 : memref<2048xf32, #tpu.memory_space<vmem>>[vector<16xi32>], vector<16xf32>,
      %add3A_239 = arith.constant 1 : i32
      %add3A_240 = vector.broadcast %add3A_239 : i32 to vector<16xi32>
      %add3A_241 = arith.addi %mul3A_238, %add3A_240 : vector<16xi32>
      %sub3A_242 = arith.constant 1.000000e+00 : f32
      %sub3A_243 = vector.broadcast %sub3A_242 : f32 to vector<16xf32>
      %sub3A_244 = arith.subf %sub3A_243, %div3A_235 : vector<16xf32>
      tpu.vector_store_idx %arg8[%add3A_241], %sub3A_244 : memref<2048xf32, #tpu.memory_space<vmem>>[vector<16xi32>], vector<16xf32>,
      %scan3A_245 = arith.constant 3 : i32
      %scan3A_246 = arith.addi %scan3A_139, %scan3A_245 : i32
      %mul3A_247 = arith.constant 16 : i32
      %mul3A_248 = arith.muli %scan3A_246, %mul3A_247 : i32
      %add3A_249 = vector.broadcast %mul3A_248 : i32 to vector<16xi32>
      %add3A_250 = arith.addi %add3A_249, %iota3A : vector<16xi32>
      %mul3A_251 = arith.constant 3 : i32
      %mul3A_252 = vector.broadcast %mul3A_251 : i32 to vector<16xi32>
      %mul3A_253 = arith.muli %add3A_250, %mul3A_252 : vector<16xi32>
      %gather3A_254 = tpu.vector_load_idx %arg5[%mul3A_253] : memref<3072xi32, #tpu.memory_space<vmem>>[vector<16xi32>], vector<16xi32>,
      %add3A_255 = arith.constant 1 : i32
      %add3A_256 = vector.broadcast %add3A_255 : i32 to vector<16xi32>
      %add3A_257 = arith.addi %mul3A_253, %add3A_256 : vector<16xi32>
      %gather3A_258 = tpu.vector_load_idx %arg5[%add3A_257] : memref<3072xi32, #tpu.memory_space<vmem>>[vector<16xi32>], vector<16xi32>,
      %add3A_259 = arith.constant 2 : i32
      %add3A_260 = vector.broadcast %add3A_259 : i32 to vector<16xi32>
      %add3A_261 = arith.addi %mul3A_253, %add3A_260 : vector<16xi32>
      %gather3A_262 = tpu.vector_load_idx %arg5[%add3A_261] : memref<3072xi32, #tpu.memory_space<vmem>>[vector<16xi32>], vector<16xi32>,
      %mul3A_263 = arith.constant 21 : i32
      %mul3A_264 = vector.broadcast %mul3A_263 : i32 to vector<16xi32>
      %mul3A_265 = arith.muli %gather3A_254, %mul3A_264 : vector<16xi32>
      %add3A_266 = arith.addi %mul3A_265, %gather3A_258 : vector<16xi32>
      %gather3A_267 = tpu.vector_load_idx %arg7[%add3A_266] : memref<448xf32, #tpu.memory_space<vmem>>[vector<16xi32>], vector<16xf32>,
      %add3A_268 = arith.addi %mul3A_265, %gather3A_262 : vector<16xi32>
      %gather3A_269 = tpu.vector_load_idx %arg7[%add3A_268] : memref<448xf32, #tpu.memory_space<vmem>>[vector<16xi32>], vector<16xf32>,
      %add3A_270 = arith.addf %gather3A_267, %gather3A_269 : vector<16xf32>
      %div3A_271 = arith.divf %gather3A_267, %add3A_270 : vector<16xf32>
      %mul3A_272 = arith.constant 2 : i32
      %mul3A_273 = vector.broadcast %mul3A_272 : i32 to vector<16xi32>
      %mul3A_274 = arith.muli %add3A_250, %mul3A_273 : vector<16xi32>
      tpu.vector_store_idx %arg8[%mul3A_274], %div3A_271 : memref<2048xf32, #tpu.memory_space<vmem>>[vector<16xi32>], vector<16xf32>,
      %add3A_275 = arith.constant 1 : i32
      %add3A_276 = vector.broadcast %add3A_275 : i32 to vector<16xi32>
      %add3A_277 = arith.addi %mul3A_274, %add3A_276 : vector<16xi32>
      %sub3A_278 = arith.constant 1.000000e+00 : f32
      %sub3A_279 = vector.broadcast %sub3A_278 : f32 to vector<16xf32>
      %sub3A_280 = arith.subf %sub3A_279, %div3A_271 : vector<16xf32>
      tpu.vector_store_idx %arg8[%add3A_277], %sub3A_280 : memref<2048xf32, #tpu.memory_space<vmem>>[vector<16xi32>], vector<16xf32>,
    }
    %scan3A_116 = arith.constant 32 : i32
    %mul3A_117 = arith.constant 2048 : i32
    %mul3A_118 = arith.muli %add3A, %mul3A_117 : i32
    %add3A_119 = arith.constant 1024 : i32
    %add3A_120 = arith.addi %mul3A_118, %add3A_119 : i32
    %dma_start3A_121 = arith.constant 1024 : i32
    %dma_start3A_122 = tpu.memref_slice %arg8[%dma_start3A_121] : memref<2048xf32, #tpu.memory_space<vmem>> -> memref<1024xf32, #tpu.memory_space<vmem>>
    %dma_start3A_123 = tpu.memref_slice %arg4[%add3A_120] : memref<32768xf32, #tpu.memory_space<hbm>> -> memref<1024xf32, #tpu.memory_space<hbm>>
    %dma_start3A_124 = tpu.memref_slice %arg4[%add3A_120] : memref<32768xf32, #tpu.memory_space<hbm>> -> memref<1024xf32, #tpu.memory_space<hbm>>
    %dma_start3A_125 = arith.constant 1024 : i32
    %dma_start3A_126 = tpu.memref_slice %arg8[%dma_start3A_125] : memref<2048xf32, #tpu.memory_space<vmem>> -> memref<1024xf32, #tpu.memory_space<vmem>>
    tpu.enqueue_dma source(%dma_start3A_126 : memref<1024xf32, #tpu.memory_space<vmem>>) target(%dma_start3A_124 : memref<1024xf32, #tpu.memory_space<hbm>>) target_semaphore(%arg10 : memref<!tpu.dma_semaphore, #tpu.memory_space<semaphore_mem>>)
    %dma_wait3A_127 = arith.constant 0 : i32
    %dma_wait3A_128 = tpu.memref_slice %arg8[%dma_wait3A_127] : memref<2048xf32, #tpu.memory_space<vmem>> -> memref<1024xf32, #tpu.memory_space<vmem>>
    %dma_wait3A_129 = tpu.memref_slice %arg4[%mul3A_104] : memref<32768xf32, #tpu.memory_space<hbm>> -> memref<1024xf32, #tpu.memory_space<hbm>>
    %dma_wait3A_130 = tpu.memref_slice %arg4[%mul3A_104] : memref<32768xf32, #tpu.memory_space<hbm>> -> memref<1024xf32, #tpu.memory_space<hbm>>
    %dma_wait3A_131 = arith.constant 0 : i32
    %dma_wait3A_132 = tpu.memref_slice %arg8[%dma_wait3A_131] : memref<2048xf32, #tpu.memory_space<vmem>> -> memref<1024xf32, #tpu.memory_space<vmem>>
    tpu.wait_dma2 semaphore(%arg10 : memref<!tpu.dma_semaphore, #tpu.memory_space<semaphore_mem>>) src(%dma_wait3A_132 : memref<1024xf32, #tpu.memory_space<vmem>>) dst(%dma_wait3A_130 : memref<1024xf32, #tpu.memory_space<hbm>>)
    %dma_wait3A_133 = arith.constant 1024 : i32
    %dma_wait3A_134 = tpu.memref_slice %arg8[%dma_wait3A_133] : memref<2048xf32, #tpu.memory_space<vmem>> -> memref<1024xf32, #tpu.memory_space<vmem>>
    %dma_wait3A_135 = tpu.memref_slice %arg4[%add3A_120] : memref<32768xf32, #tpu.memory_space<hbm>> -> memref<1024xf32, #tpu.memory_space<hbm>>
    %dma_wait3A_136 = tpu.memref_slice %arg4[%add3A_120] : memref<32768xf32, #tpu.memory_space<hbm>> -> memref<1024xf32, #tpu.memory_space<hbm>>
    %dma_wait3A_137 = arith.constant 1024 : i32
    %dma_wait3A_138 = tpu.memref_slice %arg8[%dma_wait3A_137] : memref<2048xf32, #tpu.memory_space<vmem>> -> memref<1024xf32, #tpu.memory_space<vmem>>
    tpu.wait_dma2 semaphore(%arg10 : memref<!tpu.dma_semaphore, #tpu.memory_space<semaphore_mem>>) src(%dma_wait3A_138 : memref<1024xf32, #tpu.memory_space<vmem>>) dst(%dma_wait3A_136 : memref<1024xf32, #tpu.memory_space<hbm>>)
    return
  }
}

</mosaic_0001>

<sc_bundles>
// kernel: kernel.3.cloned.1.call-start
scs
__scs_entry_jumppad:
0x0: {  	(pc) =	sbr.rel $0x88, $3  }
0x1: {  	(tag) =	ssettag $0x0;
	lr =	simm.s32 $0x1  }
0x2: {  	[smem:$0x3F9F] =	sst lr;
	_ =	strace $0xD0000000  }
0x3: {  	_ = 	snop  }
0x4: {  	_ = 	snop  }
0x5: {  	_ = 	snop  }
0x6: {  	_ = 	snop  }
0x7: {  	_ = 	snop  }
__scs_overlays_trampoline_lowered:
0x8: {  	[smem:$0x3FAE] =	sst s0  }
0x9: {  	[smem:$0x3FAF] =	sst s1  }
0xa: {  	[smem:$0x3FB0] =	sst s2  }
0xb: {  	[smem:$0x3FB1] =	sst s3  }
0xc: {  	[smem:$0x3FB2] =	sst s4  }
0xd: {  	[smem:$0x3FB3] =	sst s5  }
0xe: {  	[smem:$0x3FB4] =	sst s6  }
0xf: {  	[smem:$0x3FB5] =	sst s7  }
0x10: {  	[smem:$0x3FB6] =	sst s8  }
0x11: {  	[smem:$0x3FB7] =	sst s9;
	s0 =	simm.s32 @!p0 $0x0  }
0x12: {  	s1 =	sld [smem:$0x3F9D];
	s0 =	simm.s32 @p0 $0x1  }
0x13: {  	[smem:$0x3FB8] =	sst s0;
	s0 =	simm.s32 @!p1 $0x0  }
0x14: {  	s2 =	sld [smem:$0x3F9C];
	s0 =	simm.s32 @p1 $0x1  }
0x15: {  	[smem:$0x3FB9] =	sst s0;
	s0 =	simm.s32 @!p2 $0x0  }
0x16: {  	s3 =	sld [smem:$0x3FDB];
	s0 =	simm.s32 @p2 $0x1  }
0x17: {  	s4 =	simm.s32 $0x1BF5;
	[smem:$0x3FBB] =	sst s0  }
0x18: {  	s0 =	sld [smem:$0x3F9E];
	_ =	swait.ge [sflag:s4], $0x0  }
0x19: {  	s7 =	sld [smem:$0x3F9F]  }
0x1a: {  	s8 =	sadd.s32 $0xFFFFE003, lr  }
0x1b: {  	s9 =	sadd.s32 $0xFFFFFEF7, lr;
	s5 =	simm.s32 $0xFFFFFFFF;
	p2 =	slt.u32 s8, $0xFFFFF086  }
0x1c: {  	p1 =	slt.u32 s9, $0xF7A;
	s5 =	simm.s32 @!p2 $0x0  }
0x1d: {  	s5 =	simm.s32 @p1 $0x1;
	p0 =	seq.s32 s7, s2  }
0x1e: {  	s7 =	smul.u32 @!p0 $0xF7A, s2;
	p2 =	seq.s32 @!p0 s5, $0x0  }
0x1f: {  	s9 =	smul.u32 $0xF7A, s1;
	s8 =	simm.s32 @!p0 $0x1BF5;
	p2 =	por !p2, p0  }
0x20: {  	[sflag:s8] =	ssyncset.s32 @!p0 $0xFFFFF086;
	s6 =	sadd.s32 @!p0 s3, s7;
	s7 =	simm.s32 @!p0 $0x108  }
0x21: {  	s3 =	sadd.s32 s3, s9;
	s6 =	sadd.s32 @!p0 $0x88, s6;
	s7 =	simm.s32 @p2 $0x1082  }
0x22: {  	[simem:s7], [sflag:s8] =	dma.local @!p0 [hbm:s6], $0xF7A  }
0x23: {  	s9 =	sor.u32 $0xD0000000, s2;
	s6 =	simm.s32 $0x108;
	_ =	swait.ge @!p0 [sflag:s8], $0x0  }
0x24: {  	s3 =	sadd.s32 $0x88, s3;
	s6 =	simm.s32 @!p1 $0x1082;
	[sflag:s4] =	ssyncset.s32 $0xFFFFF086  }
0x25: {  	[simem:s6], [sflag:s4] =	dma.local [hbm:s3], $0xF7A  }
0x26: {  	[smem:$0x3F9F] =	sst s1;
	(tag) =	ssettag s2;
	_ =	strace s9  }
0x27: {  	s1 =	sld [smem:$0x3FAF]  }
0x28: {  	s2 =	sld [smem:$0x3FB0]  }
0x29: {  	s4 =	sld [smem:$0x3FB2]  }
0x2a: {  	p0 =	seq.s32 s5, $0x0;
	s5 =	sld [smem:$0x3FB3]  }
0x2b: {  	s6 =	sld [smem:$0x3FB4]  }
0x2c: {  	s7 =	sld [smem:$0x3FB5]  }
0x2d: {  	s3 =	simm.s32 $0x108;
	s8 =	sld [smem:$0x3FB6]  }
0x2e: {  	s3 =	simm.s32 @!p0 $0x1082;
	s9 =	sld [smem:$0x3FB7]  }
0x2f: {  	lr =	sadd.s32 s0, s3;
	s0 =	sld [smem:$0x3FAE]  }
0x30: {  	s3 =	sld [smem:$0x3FB1]  }
0x31: {  	[smem:$0x3FBA] =	sst s10  }
0x32: {  	s10 =	sld [smem:$0x3FB8];
	_ =	sdelay $0x3  }
0x33: {  	p0 =	seq.s32 s10, $0x1;
	s10 =	sld [smem:$0x3FBA];
	_ =	sdelay $0x3  }
0x34: {  	[smem:$0x3FBA] =	sst s10  }
0x35: {  	s10 =	sld [smem:$0x3FB9];
	_ =	sdelay $0x3  }
0x36: {  	p1 =	seq.s32 s10, $0x1;
	s10 =	sld [smem:$0x3FBA];
	_ =	sdelay $0x3  }
0x37: {  	[smem:$0x3FBA] =	sst s10  }
0x38: {  	s10 =	sld [smem:$0x3FBB]  }
0x39: {  	_ = 	snop;
	(pc) =	sbr.ind lr, $3  }
0x3a: {  	_ = 	snop  }
0x3b: {  	_ = 	snop  }
0x3c: {  	p2 =	seq.s32 s10, $0x1;
	s10 =	sld [smem:$0x3FBA]  }
0x3d: {  	_ =	shalt  }
0x3e: {  	_ =	shalt  }
0x3f: {  	_ =	shalt  }
0x40: {  	_ =	shalt  }
0x41: {  	_ =	shalt  }
0x42: {  	_ =	shalt  }
0x43: {  	_ =	shalt  }
0x44: {  	_ =	shalt  }
0x45: {  	_ =	shalt  }
0x46: {  	_ =	shalt  }
0x47: {  	_ =	shalt  }
0x48: {  	_ =	shalt  }
0x49: {  	_ =	shalt  }
0x4a: {  	_ =	shalt  }
0x4b: {  	_ =	shalt  }
0x4c: {  	_ =	shalt  }
0x4d: {  	_ =	shalt  }
0x4e: {  	_ =	shalt  }
0x4f: {  	_ =	shalt  }
0x50: {  	_ =	shalt  }
0x51: {  	_ =	shalt  }
0x52: {  	_ =	shalt  }
0x53: {  	_ =	shalt  }
0x54: {  	_ =	shalt  }
0x55: {  	_ =	shalt  }
0x56: {  	_ =	shalt  }
0x57: {  	_ =	shalt  }
0x58: {  	_ =	shalt  }
0x59: {  	_ =	shalt  }
0x5a: {  	_ =	shalt  }
0x5b: {  	_ =	shalt  }
0x5c: {  	_ =	shalt  }
0x5d: {  	_ =	shalt  }
0x5e: {  	_ =	shalt  }
0x5f: {  	_ =	shalt  }
0x60: {  	_ =	shalt  }
0x61: {  	_ =	shalt  }
0x62: {  	_ =	shalt  }
0x63: {  	_ =	shalt  }
0x64: {  	_ =	shalt  }
0x65: {  	_ =	shalt  }
0x66: {  	_ =	shalt  }
0x67: {  	_ =	shalt  }
0x68: {  	_ =	shalt  }
0x69: {  	_ =	shalt  }
0x6a: {  	_ =	shalt  }
0x6b: {  	_ =	shalt  }
0x6c: {  	_ =	shalt  }
0x6d: {  	_ =	shalt  }
0x6e: {  	_ =	shalt  }
0x6f: {  	_ =	shalt  }
0x70: {  	_ =	shalt  }
0x71: {  	_ =	shalt  }
0x72: {  	_ =	shalt  }
0x73: {  	_ =	shalt  }
0x74: {  	_ =	shalt  }
0x75: {  	_ =	shalt  }
0x76: {  	_ =	shalt  }
0x77: {  	_ =	shalt  }
0x78: {  	_ =	shalt  }
0x79: {  	_ =	shalt  }
0x7a: {  	_ =	shalt  }
0x7b: {  	_ =	shalt  }
0x7c: {  	_ =	shalt  }
0x7d: {  	_ =	shalt  }
0x7e: {  	_ =	shalt  }
0x7f: {  	_ =	shalt  }
0x80: {  	_ =	shalt  }
0x81: {  	_ =	shalt  }
0x82: {  	_ =	shalt  }
0x83: {  	_ =	shalt  }
0x84: {  	_ =	shalt  }
0x85: {  	_ =	shalt  }
0x86: {  	_ =	shalt  }
0x87: {  	_ =	shalt  }
.Lfunc_end0:
.L_simem_size_0:
called_computation_lowered:
.L_overlay_start_0:
0x88: {  	s0 =	sld [smem:$0x3FD9]  }
0x89: {  	s1 =	sld [smem:$0x3FFE];
	_ =	sdelay $0x3  }
0x8a: {  	s0 =	sadd.s32 s1, s0  }
0x8b: {  	[smem:$0x3FC6] =	sst s0  }
0x8c: {  	_ = 	snop  }
0x8d: {  	s0 =	sld [smem:$0x3FD0];
	(tm) =	ssettm $0x1  }
0x8e: {  	s16 =	sld [smem:$0x3FFB];
	_ =	sdelay $0x3  }
0x8f: {  	_ =	strace s16  }
0x90: {  	s1 =	sld [smem:$0x3FFC];
	_ =	sdelay $0x3  }
0x91: {  	_ =	strace s1  }
0x92: {  	s1 =	sld [smem:$0x3FFD];
	_ =	sdelay $0x3  }
0x93: {  	_ =	strace s1  }
0x94: {  	_ =	strace $0x8FFFFFFF  }
0x95: {  	s17 =	sld [smem:$0x3FDB];
	_ =	sdelay $0x1  }
0x96: {  	s2 =	simm.s32 $_scs_section_size  }
0x97: {  	s3 =	simm.s32 $_size__tile_overlayer_lowered;
	s4 =	simm.s32 $_tile_overlayer_lowered  }
0x98: {  	s20 =	simm.s32 $0x1BFF;
	s19 =	sshll.u32 s4, $0x1;
	s1 =	sadd.s32 s2, s17  }
0x99: {  	s5 =	simm.s32 $0x0;
	s18 =	sshll.u32 s3, $0x1;
	s3 =	sadd.s32 s19, s1  }
0x9a: {  	[timem:s5], [sflag:s20] =	dma.local [hbm:s3], s18  }
0x9b: {  	_ =	swait.ge [sflag:s20], s18  }
0x9c: {  	s2 =	ssub.s32 $0x0, s18;
	[sflag:s20] =	ssyncset.done $0x0  }
0x9d: {  	[sflag:s20] =	ssyncadd.s32 s2;
	_ =	sdelay $0x1  }
0x9e: {  	s21 =	simm.s32 $0x1B8B  }
0x9f: {  	_ =	swait.ge [sflag:s21], $0x1  }
0xa0: {  	[sflag:s21] =	ssyncset.done $0x0  }
0xa1: {  	s23 =	simm.s32 $0x1B8E;
	s22 =	sld [smem:$0x3FFE];
	[sflag:s21] =	ssyncadd.s32 $0xFFFFFFFF  }
0xa2: {  	s24 =	simm.s32 $execute0_lowered;
	[smem:$0x3FD2] =	sst s23  }
0xa3: {  	s3 =	sshll.u32 s24, $0x1;
	_ =	strace $0x80000046;
	[dreg:$0x1] =	wrdreg $0xFFFFFFFF  }
0xa4: {  	s25 =	simm.s32 $_size_execute0_lowered;
	s1 =	sadd.s32 s1, s3;
	[dreg:$0x0] =	wrdreg $0x0  }
0xa5: {  	s3 =	sshll.u32 s25, $0x1;
	[dreg:$0x2] =	wrdreg s1  }
0xa6: {  	[dreg:$0x3] =	wrdreg s3  }
0xa7: {  	[dreg:$0x4] =	wrdreg $0xC0  }
0xa8: {  	_ =	task [dreg:s5], $0x5FFFF  }
0xa9: {  	[dreg:$0x1] =	wrdreg $0xFFFFFFFF  }
0xaa: {  	[dreg:$0x0] =	wrdreg $0x60  }
0xab: {  	[dreg:$0x2] =	wrdreg s22  }
0xac: {  	[dreg:$0x3] =	wrdreg s0  }
0xad: {  	[dreg:$0x4] =	wrdreg $0x16800  }
0xae: {  	[dreg:$0x5] =	wrdreg $0x9  }
0xaf: {  	_ =	task.clear_ibuf [dreg:s5], $0x6FFFF;
	_ =	strace $0x90000046  }
0xb0: {  	s26 =	simm.s32 $0x9;
	_ =	strace $0x80000048  }
0xb1: {  	_ =	swait.ge [sflag:s26], $0x1  }
0xb2: {  	[sflag:s26] =	ssyncadd.s32 $0xFFFFFFFF  }
0xb3: {  	_ =	strace $0x90000048  }
0xb4: {  	_ =	sfence  }
0xb5: {  	s28 =	sld [smem:$0x0];
	_ =	sdelay $0x1  }
0xb6: {  	s29 =	srdreg.scid  }
0xb7: {  	s30 =	sshll.u32 s29, $0xD;
	s31 =	sshrl.u32 s29, $0x2  }
0xb8: {  	s2 =	sand.u32 $0x4000, s30;
	s1 =	sand.u32 $0x1, s29;
	s0 =	sadd.s32 s31, s28  }
0xb9: {  	s1 =	sor.u32 s2, s1;
	s0 =	sshll.u32 s0, $0x11  }
0xba: {  	s0 =	sor.u32 s0, s1  }
0xbb: {  	s0 =	sadd.s32 $0x8F2B, s0  }
0xbc: {  	[sflag:s0] =	ssyncadd.remote.s32 $0x1  }
0xbd: {  	_ =	sfence.sel $0xFFFF  }
0xbe: {  	[dreg:$0x0] =	wrdreg $0xFFFFFFFF;
	(pc) =	sbr.abs _section_cstart, $3  }
0xbf: {  	[dreg:$0x1] =	wrdreg $0xFFFFFFFF  }
0xc0: {  	_ =	task.clear_ibuf [dreg:s5], $0x2FFFF;
	_ =	strace $0x9FFFFFFF  }
0xc1: {  	(tm) =	ssettm $0x7FFFFFFF  }
tec
execute0_lowered:
.L_overlay_start_1:
0x0: {  	(tag) =	ssettag $0x1  }
0x1: {  	s0 =	stileid.u32  }
0x2: {  	v0 =	vlaneseq.u32;
	s5 =	sshll.u32 s0, $0x4  }
0x3: {  	s6 =	rddreg [dreg:$0x0];
	v1 =	vor.u32 s5, v0  }
0x4: {  	s3 =	rddreg [dreg:$0x1];
	s7 =	smul.u32 $0x180, s0;
	v2 =	vmul.u32 $0xC31, v1  }
0x5: {  	s4 =	rddreg [dreg:$0x2];
	s2 =	simm.s32 $0x0  }
0x6: {  	[smem:$0x7FF] =	sst s2;
	s7 =	sadd.s32 s7, s6;
	v2 =	vshrl.u32 v2, $0x10  }
0x7: {  	s1 =	rddreg [dreg:$0x3];
	_ =	strace $0x80000047;
	s7 =	sadd.s32 $0x600, s7;
	v3 =	vmul.u32 $0xFFFFFFEB, v2  }
0x8: {  	[tilespmem:s2], [sflag:$0x1] =	stream.linear.gather [hbm4b:s7+s2], $0xC00, $0x38;
	v2 =	vmul.u32 $0x3, v2;
	[tilespmem:$0x16A0] =	vst v63  }
0x9: {  	s28 =	simm.s32 $0xC00;
	s29 =	simm.s32 $0x2;
	s6 =	sadd.s32 $0x1E00, s6;
	v1 =	vadd.s32 v1, v3  }
0xa: {  	[tilespmem:s28], [sflag:$0x2] =	stream.linear.gather [hbm4b:s6+s2], $0x80, $0x38;
	v3 =	vadd.s32 $0x1, v2;
	v1 =	vmul.u32 $0x3, v1;
	[tilespmem:$0x16A0] =	vst v63  }
0xb: {  	_ =	swait.ge [sflag:s29], $0x80  }
0xc: {  	[sflag:s29] =	ssyncset.done $0x0;
	v4 =	vadd.s32 $0x1, v1  }
0xd: {  	v5 =	vadd.s32 $0x2, v2;
	[sflag:s29] =	ssyncadd.s32 $0xFFFFFF80  }
0xe: {  	v6 =	vadd.s32 $0x2, v1;
	v2 =	vld.idx.msk [tilespmem:v2+s28+$0x0], $0xffff  }
0xf: {  	v3 =	vld.idx.msk [tilespmem:v3+s28+$0x0], $0xffff  }
0x10: {  	v1 =	vld.idx.msk [tilespmem:v1+s28+$0x0], $0xffff  }
0x11: {  	v4 =	vld.idx.msk [tilespmem:v4+s28+$0x0], $0xffff  }
0x12: {  	v5 =	vld.idx.msk [tilespmem:v5+s28+$0x0], $0xffff  }
0x13: {  	v6 =	vld.idx.msk [tilespmem:v6+s28+$0x0], $0xffff;
	_ =	sdelay $0x2  }
0x14: {  	v1 =	vsub.f32 v2, v1;
	v2 =	vsub.f32 v3, v4;
	_ =	sdelay $0x1  }
0x15: {  	v3 =	vsub.f32 v5, v6;
	v1 =	vmul.f32 v1, v1;
	v2 =	vmul.f32 v2, v2;
	_ =	sdelay $0x1  }
0x16: {  	v1 =	vadd.f32 v2, v1;
	v2 =	vmul.f32 v3, v3;
	_ =	sdelay $0x1  }
0x17: {  	v1 =	vadd.f32 v2, v1;
	_ =	sdelay $0x1  }
0x18: {  	v2 =	vmax.f32 v1, $1.000000000e-30  }
0x19: {  	v3 =	vshrl.u32 v2, $0x1;
	v2 =	vmul.f32 $-5.000000000e-01, v2  }
0x1a: {  	v3 =	vsub.s32 $0x5F3759DF, v3  }
0x1b: {  	v63 =	vmul.f32 v3, v2;
	_ =	sdelay $0x1  }
0x1c: {  	v4 =	vmul.f32 v3, v63;
	_ =	sdelay $0x1  }
0x1d: {  	v4 =	vadd.f32 $1.500000000e+00, v4;
	_ =	sdelay $0x1  }
0x1e: {  	v3 =	vmul.f32 v3, v4;
	_ =	sdelay $0x1  }
0x1f: {  	v2 =	vmul.f32 v3, v2;
	_ =	sdelay $0x1  }
0x20: {  	v2 =	vmul.f32 v2, v3;
	_ =	sdelay $0x1  }
0x21: {  	v2 =	vadd.f32 $1.500000000e+00, v2;
	_ =	sdelay $0x1  }
0x22: {  	v2 =	vmul.f32 v2, v3;
	_ =	sdelay $0x1  }
0x23: {  	v1 =	vmul.f32 v2, v1;
	_ =	sdelay $0x1  }
0x24: {  	v1 =	vmul.f32 $-1.000000000e+01, v1;
	_ =	sdelay $0x1  }
0x25: {  	v1 =	vmul.f32 $1.442695020e+00, v1;
	_ =	sdelay $0x1  }
0x26: {  	(erf) = vpow2.f32 v1;
	_ =	sdelay $0x1  }
0x27: {  	p0 =	sgt.u32 s0, $0xB  }
0x28: {  	s7 =	sor.u32 @!p0 $0x100, s5;
	v1 =	vlaneseq.u32 @!p0  }
0x29: {  	v1 =	vor.u32 @!p0 s7, v1  }
0x2a: {  	v1 =	vmin.u32 @!p0 v1, $0x1B8  }
0x2b: {  	v2 =	vmul.u32 @!p0 $0xC31, v1;
	_ =	sdelay $0x1  }
0x2c: {  	v2 =	vshrl.u32 @!p0 v2, $0x10  }
0x2d: {  	v4 =	vmul.u32 @!p0 $0xFFFFFFEB, v2;
	v3 =	vpop (erf)  }
0x2e: {  	v3 =	vadd.f32 $1.000000050e-03, v3  }
0x2f: {  	v2 =	vmul.u32 @!p0 $0x3, v2;
	v1 =	vadd.s32 @!p0 v1, v4  }
0x30: {  	s8 =	sadd.s32 $0xC80, s5;
	s9 =	sadd.s32 s5, s4;
	v1 =	vmul.u32 @!p0 $0x3, v1;
	[tilespmem:s5+$0xC80] =	vst v3  }
0x31: {  	[spmem:s9] =	stream.linear.scatter [tilespmem:s8], [sflag:$0x2], $0x10, $0x38;
	[tilespmem:$0x16A0] =	vst v63  }
0x32: {  	v3 =	vadd.s32 @!p0 $0x1, v2;
	_ =	swait.ge [sflag:s29], $0x10  }
0x33: {  	v4 =	vadd.s32 @!p0 $0x1, v1;
	[sflag:s29] =	ssyncset.done $0x0  }
0x34: {  	v5 =	vadd.s32 @!p0 $0x2, v2;
	s8 =	simm.s32 @!p0 $0xC00;
	[sflag:s29] =	ssyncadd.s32 $0xFFFFFFF0  }
0x35: {  	v6 =	vadd.s32 @!p0 $0x2, v1;
	v2 =	vld.idx.msk @!p0 [tilespmem:v2+s8+$0x0], $0xffff  }
0x36: {  	v1 =	vld.idx.msk @!p0 [tilespmem:v1+s8+$0x0], $0xffff  }
0x37: {  	v3 =	vld.idx.msk @!p0 [tilespmem:v3+s8+$0x0], $0xffff  }
0x38: {  	v4 =	vld.idx.msk @!p0 [tilespmem:v4+s8+$0x0], $0xffff  }
0x39: {  	v5 =	vld.idx.msk @!p0 [tilespmem:v5+s8+$0x0], $0xffff  }
0x3a: {  	v6 =	vld.idx.msk @!p0 [tilespmem:v6+s8+$0x0], $0xffff;
	_ =	sdelay $0x2  }
0x3b: {  	v1 =	vsub.f32 @!p0 v2, v1;
	v2 =	vsub.f32 @!p0 v3, v4;
	_ =	sdelay $0x1  }
0x3c: {  	v3 =	vsub.f32 @!p0 v5, v6;
	v1 =	vmul.f32 @!p0 v1, v1;
	v2 =	vmul.f32 @!p0 v2, v2;
	_ =	sdelay $0x1  }
0x3d: {  	v1 =	vadd.f32 @!p0 v2, v1;
	v2 =	vmul.f32 @!p0 v3, v3;
	_ =	sdelay $0x1  }
0x3e: {  	v1 =	vadd.f32 @!p0 v2, v1;
	_ =	sdelay $0x1  }
0x3f: {  	v2 =	vmax.f32 @!p0 v1, $1.000000000e-30  }
0x40: {  	v3 =	vshrl.u32 @!p0 v2, $0x1;
	v2 =	vmul.f32 @!p0 $-5.000000000e-01, v2  }
0x41: {  	v3 =	vsub.s32 @!p0 $0x5F3759DF, v3  }
0x42: {  	v4 =	vmul.f32 @!p0 v3, v2;
	_ =	sdelay $0x1  }
0x43: {  	v4 =	vmul.f32 @!p0 v3, v4;
	_ =	sdelay $0x1  }
0x44: {  	v4 =	vadd.f32 @!p0 $1.500000000e+00, v4;
	_ =	sdelay $0x1  }
0x45: {  	v3 =	vmul.f32 @!p0 v3, v4;
	_ =	sdelay $0x1  }
0x46: {  	v2 =	vmul.f32 @!p0 v3, v2;
	_ =	sdelay $0x1  }
0x47: {  	v2 =	vmul.f32 @!p0 v2, v3;
	_ =	sdelay $0x1  }
0x48: {  	v2 =	vadd.f32 @!p0 $1.500000000e+00, v2;
	_ =	sdelay $0x1  }
0x49: {  	v2 =	vmul.f32 @!p0 v2, v3;
	_ =	sdelay $0x1  }
0x4a: {  	v1 =	vmul.f32 @!p0 v2, v1;
	_ =	sdelay $0x1  }
0x4b: {  	v1 =	vmul.f32 @!p0 $-1.000000000e+01, v1;
	_ =	sdelay $0x1  }
0x4c: {  	v1 =	vmul.f32 @!p0 $1.442695020e+00, v1;
	_ =	sdelay $0x1  }
0x4d: {  	(erf) = vpow2.f32 @!p0 v1;
	_ =	sdelay $0x8  }
0x4e: {  	v1 =	vpop @!p0 (erf)  }
0x4f: {  	v1 =	vadd.f32 @!p0 $1.000000050e-03, v1  }
0x50: {  	s8 =	sand.u32 @!p0 $0x1F0, s7  }
0x51: {  	s5 =	sadd.s32 @!p0 $0xD80, s5;
	s7 =	sadd.s32 @!p0 s7, s4;
	[tilespmem:s8+$0xC80] =	vst @!p0 v1  }
0x52: {  	[spmem:s7] =	stream.linear.scatter @!p0 [tilespmem:s5], [sflag:$0x2], $0x10, $0x38;
	[tilespmem:$0x16A0] =	vst v63  }
0x53: {  	s5 =	simm.s32 @!p0 $0x2  }
0x54: {  	_ =	swait.ge @!p0 [sflag:s5], $0x10  }
0x55: {  	[sflag:s5] =	ssyncset.done @!p0 $0x0  }
0x56: {  	[sflag:s5] =	ssyncadd.s32 @!p0 $0xFFFFFFF0  }
0x57: {  	s5 =	simm.s32 $0xC80;
	[bflag:$0x0] =	sbarrier.arrive $0xFFFF  }
0x58: {  	[tilespmem:s5], [sflag:$0x2] =	stream.linear.gather [spmem:s4], $0x200, $0x38;
	[tilespmem:$0x16A0] =	vst v63  }
0x59: {  	_ =	swait.ge [sflag:s29], $0x200  }
0x5a: {  	[sflag:s29] =	ssyncset.done $0x0  }
0x5b: {  	s30 =	simm.s32 $0x1;
	[sflag:s29] =	ssyncadd.s32 $0xFFFFFE00  }
0x5c: {  	s31 =	sshll.u32 s0, $0x8;
	s6 =	simm.s32 $0xFFFFFFFC;
	_ =	swait.ge [sflag:s30], $0xC00  }
0x5d: {  	s8 =	simm.s32 $0xE80;
	s4 =	sadd.s32 s3, s31;
	[sflag:s30] =	ssyncset.done $0x0  }
0x5e: {  	s7 =	simm.s32 $0x30;
	s3 =	sadd.s32 $0x80, s4;
	[sflag:s30] =	ssyncadd.s32 $0xFFFFF400  }
.LBB2_1:
0x5f: {  	s9 =	sadd.s32 $0xFFFFFFD0, s7  }
0x60: {  	v1 =	vor.u32 s9, v0  }
0x61: {  	v2 =	vmul.u32 $0x3, v1;
	_ =	sdelay $0x2  }
0x62: {  	v3 =	vadd.s32 $0x1, v2  }
0x63: {  	v4 =	vadd.s32 $0x2, v2;
	_ =	sdelay $0x1  }
0x64: {  	v2 =	vld.idx.msk [tilespmem:v2+s2+$0x0], $0xffff;
	_ =	sdelay $0x1  }
0x65: {  	v3 =	vld.idx.msk [tilespmem:v3+s2+$0x0], $0xffff  }
0x66: {  	v4 =	vld.idx.msk [tilespmem:v4+s2+$0x0], $0xffff;
	_ =	sdelay $0x1  }
0x67: {  	v2 =	vmul.u32 $0x15, v2;
	_ =	sdelay $0x1  }
0x68: {  	v3 =	vadd.s32 v3, v2  }
0x69: {  	v2 =	vadd.s32 v2, v4;
	_ =	sdelay $0x3  }
0x6a: {  	v3 =	vld.idx.msk [tilespmem:v3+s5+$0x0], $0xffff  }
0x6b: {  	v2 =	vld.idx.msk [tilespmem:v2+s5+$0x0], $0xffff;
	_ =	sdelay $0x4  }
0x6c: {  	v2 =	vadd.f32 v2, v3;
	_ =	sdelay $0x1  }
0x6d: {  	(erf) = vrcp.f32 v2;
	_ =	sdelay $0x6  }
0x6e: {  	s30 =	sadd.s32 $0xFFFFFFE0, s7  }
0x6f: {  	v1 =	vshll.u32 v1, $0x1;
	v2 =	vor.u32 s30, v0  }
0x70: {  	v5 =	vor.u32 $0x1, v1;
	v6 =	vmul.u32 $0x3, v2;
	v54 =	vpop (erf)  }
0x71: {  	v3 =	vmul.f32 v54, v3;
	_ =	sdelay $0x1  }
0x72: {  	v7 =	vadd.s32 $0x1, v6;
	v4 =	vsub.f32 $1.000000000e+00, v3  }
0x73: {  	[tilespmem:v1+s8+$0x0] =	vst.idx.msk $0xffff, v3;
	v1 =	vadd.s32 $0x2, v6  }
0x74: {  	[tilespmem:v5+s8+$0x0] =	vst.idx.msk $0xffff, v4  }
0x75: {  	v3 =	vld.idx.msk [tilespmem:v6+s2+$0x0], $0xffff;
	_ =	sdelay $0x1  }
0x76: {  	v4 =	vld.idx.msk [tilespmem:v7+s2+$0x0], $0xffff  }
0x77: {  	v1 =	vld.idx.msk [tilespmem:v1+s2+$0x0], $0xffff;
	_ =	sdelay $0x1  }
0x78: {  	v3 =	vmul.u32 $0x15, v3;
	_ =	sdelay $0x1  }
0x79: {  	v4 =	vadd.s32 v4, v3  }
0x7a: {  	v1 =	vadd.s32 v3, v1;
	_ =	sdelay $0x3  }
0x7b: {  	v3 =	vld.idx.msk [tilespmem:v4+s5+$0x0], $0xffff  }
0x7c: {  	v1 =	vld.idx.msk [tilespmem:v1+s5+$0x0], $0xffff;
	_ =	sdelay $0x4  }
0x7d: {  	v1 =	vadd.f32 v1, v3;
	_ =	sdelay $0x1  }
0x7e: {  	(erf) = vrcp.f32 v1;
	_ =	sdelay $0x6  }
0x7f: {  	s31 =	sadd.s32 $0xFFFFFFF0, s7  }
0x80: {  	v1 =	vshll.u32 v2, $0x1;
	v2 =	vor.u32 s31, v0  }
0x81: {  	v56 =	vor.u32 $0x1, v1;
	v57 =	vmul.u32 $0x3, v2;
	v55 =	vpop (erf)  }
0x82: {  	v3 =	vmul.f32 v55, v3;
	_ =	sdelay $0x1  }
0x83: {  	v58 =	vadd.s32 $0x1, v57;
	v4 =	vsub.f32 $1.000000000e+00, v3  }
0x84: {  	[tilespmem:v1+s8+$0x0] =	vst.idx.msk $0xffff, v3;
	v1 =	vadd.s32 $0x2, v57  }
0x85: {  	[tilespmem:v56+s8+$0x0] =	vst.idx.msk $0xffff, v4  }
0x86: {  	v3 =	vld.idx.msk [tilespmem:v57+s2+$0x0], $0xffff;
	_ =	sdelay $0x1  }
0x87: {  	v4 =	vld.idx.msk [tilespmem:v58+s2+$0x0], $0xffff  }
0x88: {  	v1 =	vld.idx.msk [tilespmem:v1+s2+$0x0], $0xffff;
	_ =	sdelay $0x1  }
0x89: {  	v3 =	vmul.u32 $0x15, v3;
	_ =	sdelay $0x1  }
0x8a: {  	v4 =	vadd.s32 v4, v3  }
0x8b: {  	v1 =	vadd.s32 v3, v1;
	_ =	sdelay $0x3  }
0x8c: {  	v3 =	vld.idx.msk [tilespmem:v4+s5+$0x0], $0xffff  }
0x8d: {  	v1 =	vld.idx.msk [tilespmem:v1+s5+$0x0], $0xffff;
	_ =	sdelay $0x4  }
0x8e: {  	v1 =	vadd.f32 v1, v3;
	_ =	sdelay $0x1  }
0x8f: {  	(erf) = vrcp.f32 v1;
	_ =	sdelay $0x7  }
0x90: {  	v1 =	vshll.u32 v2, $0x1;
	v2 =	vor.u32 s7, v0  }
0x91: {  	v60 =	vor.u32 $0x1, v1;
	v61 =	vmul.u32 $0x3, v2;
	v59 =	vpop (erf)  }
0x92: {  	v3 =	vmul.f32 v59, v3;
	_ =	sdelay $0x1  }
0x93: {  	v62 =	vadd.s32 $0x1, v61;
	v4 =	vsub.f32 $1.000000000e+00, v3  }
0x94: {  	[tilespmem:v1+s8+$0x0] =	vst.idx.msk $0xffff, v3;
	v1 =	vadd.s32 $0x2, v61  }
0x95: {  	[tilespmem:v60+s8+$0x0] =	vst.idx.msk $0xffff, v4  }
0x96: {  	v3 =	vld.idx.msk [tilespmem:v61+s2+$0x0], $0xffff;
	_ =	sdelay $0x1  }
0x97: {  	v4 =	vld.idx.msk [tilespmem:v62+s2+$0x0], $0xffff  }
0x98: {  	v1 =	vld.idx.msk [tilespmem:v1+s2+$0x0], $0xffff;
	_ =	sdelay $0x1  }
0x99: {  	v3 =	vmul.u32 $0x15, v3;
	_ =	sdelay $0x1  }
0x9a: {  	v4 =	vadd.s32 v4, v3  }
0x9b: {  	v1 =	vadd.s32 v3, v1;
	_ =	sdelay $0x3  }
0x9c: {  	v3 =	vld.idx.msk [tilespmem:v4+s5+$0x0], $0xffff  }
0x9d: {  	v1 =	vld.idx.msk [tilespmem:v1+s5+$0x0], $0xffff;
	_ =	sdelay $0x4  }
0x9e: {  	v1 =	vadd.f32 v1, v3;
	_ =	sdelay $0x1  }
0x9f: {  	(erf) = vrcp.f32 v1;
	_ =	sdelay $0x7  }
0xa0: {  	s6 =	sadd.s32 $0x4, s6;
	v1 =	vshll.u32 v2, $0x1  }
0xa1: {  	p0 =	slt.u32 s6, $0x1C;
	v63 =	vor.u32 $0x1, v1;
	v2 =	vpop (erf)  }
.Ltmp0:
0xa2: {  	v2 =	vmul.f32 v2, v3;
	(pc) =	sbr.rel @p0 .LBB2_1-.Ltmp0, $4  }
0xa3: {  	_ = 	snop  }
0xa4: {  	v3 =	vsub.f32 $1.000000000e+00, v2  }
0xa5: {  	[tilespmem:v1+s8+$0x0] =	vst.idx.msk $0xffff, v2  }
0xa6: {  	s7 =	sadd.s32 $0x40, s7;
	[tilespmem:v63+s8+$0x0] =	vst.idx.msk $0xffff, v3  }
0xa7: {  	s2 =	simm.s32 $0x0;
	s5 =	simm.s32 $0xE80  }
0xa8: {  	[hbm4b:s4+s2] =	stream.linear.scatter [tilespmem:s5], [sflag:$0x1], $0x400, $0x38;
	[tilespmem:$0x16A0] =	vst v63  }
0xa9: {  	s6 =	simm.s32 $0x230;
	v0 =	vlaneseq.u32;
	s7 =	simm.s32 $0xC80;
	s4 =	simm.s32 $0x1C  }
.LBB2_3:
0xaa: {  	s8 =	sadd.s32 $0xFFFFFFD0, s6  }
0xab: {  	v1 =	vor.u32 s8, v0  }
0xac: {  	v2 =	vmul.u32 $0x3, v1;
	_ =	sdelay $0x2  }
0xad: {  	v3 =	vadd.s32 $0x1, v2  }
0xae: {  	v4 =	vadd.s32 $0x2, v2;
	_ =	sdelay $0x1  }
0xaf: {  	v2 =	vld.idx.msk [tilespmem:v2+s2+$0x0], $0xffff;
	_ =	sdelay $0x1  }
0xb0: {  	v3 =	vld.idx.msk [tilespmem:v3+s2+$0x0], $0xffff  }
0xb1: {  	v4 =	vld.idx.msk [tilespmem:v4+s2+$0x0], $0xffff;
	_ =	sdelay $0x1  }
0xb2: {  	v2 =	vmul.u32 $0x15, v2;
	_ =	sdelay $0x1  }
0xb3: {  	v3 =	vadd.s32 v3, v2  }
0xb4: {  	v2 =	vadd.s32 v2, v4;
	_ =	sdelay $0x3  }
0xb5: {  	v3 =	vld.idx.msk [tilespmem:v3+s7+$0x0], $0xffff  }
0xb6: {  	v2 =	vld.idx.msk [tilespmem:v2+s7+$0x0], $0xffff;
	_ =	sdelay $0x4  }
0xb7: {  	v2 =	vadd.f32 v2, v3;
	_ =	sdelay $0x1  }
0xb8: {  	(erf) = vrcp.f32 v2;
	_ =	sdelay $0x6  }
0xb9: {  	s30 =	sadd.s32 $0xFFFFFFE0, s6  }
0xba: {  	v1 =	vshll.u32 v1, $0x1;
	v2 =	vor.u32 s30, v0  }
0xbb: {  	v5 =	vor.u32 $0x1, v1;
	v6 =	vmul.u32 $0x3, v2;
	v54 =	vpop (erf)  }
0xbc: {  	v3 =	vmul.f32 v54, v3;
	_ =	sdelay $0x1  }
0xbd: {  	v7 =	vadd.s32 $0x1, v6;
	v4 =	vsub.f32 $1.000000000e+00, v3  }
0xbe: {  	[tilespmem:v1+s5+$0x0] =	vst.idx.msk $0xffff, v3;
	v1 =	vadd.s32 $0x2, v6  }
0xbf: {  	[tilespmem:v5+s5+$0x0] =	vst.idx.msk $0xffff, v4  }
0xc0: {  	v3 =	vld.idx.msk [tilespmem:v6+s2+$0x0], $0xffff;
	_ =	sdelay $0x1  }
0xc1: {  	v4 =	vld.idx.msk [tilespmem:v7+s2+$0x0], $0xffff  }
0xc2: {  	v1 =	vld.idx.msk [tilespmem:v1+s2+$0x0], $0xffff;
	_ =	sdelay $0x1  }
0xc3: {  	v3 =	vmul.u32 $0x15, v3;
	_ =	sdelay $0x1  }
0xc4: {  	v4 =	vadd.s32 v4, v3  }
0xc5: {  	v1 =	vadd.s32 v3, v1;
	_ =	sdelay $0x3  }
0xc6: {  	v3 =	vld.idx.msk [tilespmem:v4+s7+$0x0], $0xffff  }
0xc7: {  	v1 =	vld.idx.msk [tilespmem:v1+s7+$0x0], $0xffff;
	_ =	sdelay $0x4  }
0xc8: {  	v1 =	vadd.f32 v1, v3;
	_ =	sdelay $0x1  }
0xc9: {  	(erf) = vrcp.f32 v1;
	_ =	sdelay $0x6  }
0xca: {  	s31 =	sadd.s32 $0xFFFFFFF0, s6  }
0xcb: {  	v1 =	vshll.u32 v2, $0x1;
	v2 =	vor.u32 s31, v0  }
0xcc: {  	v56 =	vor.u32 $0x1, v1;
	v57 =	vmul.u32 $0x3, v2;
	v55 =	vpop (erf)  }
0xcd: {  	v3 =	vmul.f32 v55, v3;
	_ =	sdelay $0x1  }
0xce: {  	v58 =	vadd.s32 $0x1, v57;
	v4 =	vsub.f32 $1.000000000e+00, v3  }
0xcf: {  	[tilespmem:v1+s5+$0x0] =	vst.idx.msk $0xffff, v3;
	v1 =	vadd.s32 $0x2, v57  }
0xd0: {  	[tilespmem:v56+s5+$0x0] =	vst.idx.msk $0xffff, v4  }
0xd1: {  	v3 =	vld.idx.msk [tilespmem:v57+s2+$0x0], $0xffff;
	_ =	sdelay $0x1  }
0xd2: {  	v4 =	vld.idx.msk [tilespmem:v58+s2+$0x0], $0xffff  }
0xd3: {  	v1 =	vld.idx.msk [tilespmem:v1+s2+$0x0], $0xffff;
	_ =	sdelay $0x1  }
0xd4: {  	v3 =	vmul.u32 $0x15, v3;
	_ =	sdelay $0x1  }
0xd5: {  	v4 =	vadd.s32 v4, v3  }
0xd6: {  	v1 =	vadd.s32 v3, v1;
	_ =	sdelay $0x3  }
0xd7: {  	v3 =	vld.idx.msk [tilespmem:v4+s7+$0x0], $0xffff  }
0xd8: {  	v1 =	vld.idx.msk [tilespmem:v1+s7+$0x0], $0xffff;
	_ =	sdelay $0x4  }
0xd9: {  	v1 =	vadd.f32 v1, v3;
	_ =	sdelay $0x1  }
0xda: {  	(erf) = vrcp.f32 v1;
	_ =	sdelay $0x7  }
0xdb: {  	v1 =	vshll.u32 v2, $0x1;
	v2 =	vor.u32 s6, v0  }
0xdc: {  	v60 =	vor.u32 $0x1, v1;
	v61 =	vmul.u32 $0x3, v2;
	v59 =	vpop (erf)  }
0xdd: {  	v3 =	vmul.f32 v59, v3;
	_ =	sdelay $0x1  }
0xde: {  	v62 =	vadd.s32 $0x1, v61;
	v4 =	vsub.f32 $1.000000000e+00, v3  }
0xdf: {  	[tilespmem:v1+s5+$0x0] =	vst.idx.msk $0xffff, v3;
	v1 =	vadd.s32 $0x2, v61  }
0xe0: {  	[tilespmem:v60+s5+$0x0] =	vst.idx.msk $0xffff, v4  }
0xe1: {  	v3 =	vld.idx.msk [tilespmem:v61+s2+$0x0], $0xffff;
	_ =	sdelay $0x1  }
0xe2: {  	v4 =	vld.idx.msk [tilespmem:v62+s2+$0x0], $0xffff  }
0xe3: {  	v1 =	vld.idx.msk [tilespmem:v1+s2+$0x0], $0xffff;
	_ =	sdelay $0x1  }
0xe4: {  	v3 =	vmul.u32 $0x15, v3;
	_ =	sdelay $0x1  }
0xe5: {  	v4 =	vadd.s32 v4, v3  }
0xe6: {  	v1 =	vadd.s32 v3, v1;
	_ =	sdelay $0x3  }
0xe7: {  	v3 =	vld.idx.msk [tilespmem:v4+s7+$0x0], $0xffff  }
0xe8: {  	v1 =	vld.idx.msk [tilespmem:v1+s7+$0x0], $0xffff;
	_ =	sdelay $0x4  }
0xe9: {  	v1 =	vadd.f32 v1, v3;
	_ =	sdelay $0x1  }
0xea: {  	(erf) = vrcp.f32 v1;
	_ =	sdelay $0x7  }
0xeb: {  	s4 =	sadd.s32 $0x4, s4;
	v1 =	vshll.u32 v2, $0x1  }
0xec: {  	p0 =	slt.u32 s4, $0x3C;
	v63 =	vor.u32 $0x1, v1;
	v2 =	vpop (erf)  }
.Ltmp1:
0xed: {  	v2 =	vmul.f32 v2, v3;
	(pc) =	sbr.rel @p0 .LBB2_3-.Ltmp1, $4  }
0xee: {  	_ = 	snop  }
0xef: {  	v3 =	vsub.f32 $1.000000000e+00, v2  }
0xf0: {  	[tilespmem:v1+s5+$0x0] =	vst.idx.msk $0xffff, v2  }
0xf1: {  	s6 =	sadd.s32 $0x40, s6;
	[tilespmem:v63+s5+$0x0] =	vst.idx.msk $0xffff, v3  }
0xf2: {  	s2 =	simm.s32 $0x0;
	s4 =	simm.s32 $0x1280;
	s31 =	simm.s32 $0x1  }
0xf3: {  	[hbm4b:s3+s2] =	stream.linear.scatter [tilespmem:s4], [sflag:$0x1], $0x400, $0x38;
	[tilespmem:$0x16A0] =	vst v63  }
0xf4: {  	_ =	swait.ge [sflag:s31], $0x400  }
0xf5: {  	[sflag:s31] =	ssyncset.done $0x0  }
0xf6: {  	[sflag:s31] =	ssyncadd.s32 $0xFFFFFC00  }
0xf7: {  	_ =	swait.ge [sflag:s31], $0x400  }
0xf8: {  	[sflag:s31] =	ssyncset.done $0x0  }
0xf9: {  	[sflag:s31] =	ssyncadd.s32 $0xFFFFFC00  }
0xfa: {  	_ =	sfence.sel $0x180000  }
0xfb: {  	[bflag:$0x0] =	sbarrier.arrive $0xFFFF  }
0xfc: {  	p0 =	sne.s32 s0, $0x0;
	_ =	strace $0x90000047  }
0xfd: {  	s0 =	sadd.s32 @!p0 $0x100000, s1;
	[bflag:$0x2] =	sbarrier.arrive $0xFFFF  }
0xfe: {  	[sflag:s0] =	ssyncadd.tile.s32 @!p0 $0x1;
	_ =	shalt  }
.Lfunc_end2:
_tile_overlayer_lowered:
.L_overlay_start_2:
0xff: {  	(tag) =	ssettag $0x2  }
0x100: {  	s0 =	rddreg [dreg:$0x0];
	s2 =	stileid.u32  }
0x101: {  	s1 =	rddreg [dreg:$0x1];
	p0 =	sne.s32 s2, $0x0  }
0x102: {  	s3 =	rddreg [dreg:$0x2];
	[bflag:$0x3] =	sbarrier.arrive $0xFFFF;
	s2 =	simm.s32 @!p0 $0x1C02  }
0x103: {  	[timem:s3], [sflag:s2] =	dma.local @!p0 [hbm:s0], s1  }
0x104: {  	s0 =	simm.s32 @!p0 $0x2  }
0x105: {  	_ =	swait.ge @!p0 [sflag:s0], s1  }
0x106: {  	s1 =	ssub.s32 @!p0 $0x0, s1;
	[sflag:s0] =	ssyncset.done @!p0 $0x0  }
0x107: {  	[sflag:s0] =	ssyncadd.s32 @!p0 s1  }
0x108: {  	[bflag:$0x3] =	sbarrier.arrive $0xFFFF  }
0x109: {  	_ =	shalt  }

</sc_bundles>
